<compile_context>
chip_gen: v7x
topology: tpu7x:2x2x1
jax: 0.10.2.dev20260603
libtpu: 0.0.44.dev20260713+nightly
codegen_flags: <defaults>
</compile_context>

<pallas_src>
import jax
import jax.numpy as jnp
from jax import lax
from jax.experimental import pallas as pl
from jax.experimental.pallas import tpu as pltpu
from jax.experimental.pallas import tpu_sc as plsc

VOCAB = 1_000_000
D = 64
SEQ = 200
BATCH = 1024
ROWS = BATCH * SEQ
HSEQ = SEQ // 2

NC = 2
NS = 16
LANES = 16
NW = NC * NS

SEQ_PER_W = BATCH // NW
SPLITS = ((0, 128), (128, 72))

SCALE = 8.0


def _body(idx_ref, tab_ref, pos_ref, out_ref,
          idx_v, pos_v, buf0, buf1, ob0, ob1, gsems, ssems):
    wid = lax.axis_index("s") * NC + lax.axis_index("c")
    base_seq = wid * SEQ_PER_W
    bufs = (buf0, buf1)
    obufs = (ob0, ob1)

    blk = pl.ds(base_seq * SEQ, SEQ_PER_W * SEQ)
    pltpu.sync_copy(idx_ref.at[blk], idx_v)
    pltpu.sync_copy(pos_ref, pos_v)

    def issue_gather(s, b):
        row0 = s * SEQ
        for off, n in SPLITS:
            pltpu.async_copy(
                tab_ref.at[idx_v.at[pl.ds(row0 + off, n)]],
                bufs[b].at[pl.ds(off, n)],
                gsems.at[b],
            )

    def drain_gather(b):
        pltpu.make_async_copy(
            tab_ref.at[pl.ds(0, SEQ)], bufs[b], gsems.at[b]
        ).wait()

    def drain_store(ob):
        pltpu.make_async_copy(
            out_ref.at[0], obufs[ob], ssems.at[ob]
        ).wait()

    def compute(s, b, ob):
        src, dst = bufs[b], obufs[ob]

        @plsc.parallel_loop(0, SEQ, unroll=4)
        def _(r):
            for c in range(D // LANES):
                v = src[r, pl.ds(c * LANES, LANES)]
                dst[r, pl.ds(c * LANES, LANES)] = (
                    v * SCALE
                    + pos_v[r // 2, pl.ds((r % 2) * D + c * LANES, LANES)]
                )

    issue_gather(0, 0)

    @pl.loop(0, SEQ_PER_W, step=2)
    def _(g):
        for b in range(2):
            s = g + b

            @pl.when(s + 1 < SEQ_PER_W)
            def _():
                issue_gather(s + 1, 1 - b)

            drain_gather(b)

            @pl.when(s >= 2)
            def _():
                drain_store(b)

            compute(s, b, b)
            pltpu.async_copy(
                obufs[b], out_ref.at[base_seq + s], ssems.at[b]
            )

    drain_store(0)
    drain_store(1)


@jax.jit
def _embed(idx, tabp, pos2):
    mesh = plsc.VectorSubcoreMesh(
        core_axis_name="c", subcore_axis_name="s", num_cores=NC,
        num_subcores=NS,
    )
    f = pl.kernel(
        _body,
        out_type=jax.ShapeDtypeStruct((BATCH, SEQ, D), jnp.float32),
        mesh=mesh,
        scratch_types=[
            pltpu.VMEM((SEQ_PER_W * SEQ,), jnp.int32),
            pltpu.VMEM((HSEQ, 2 * D), jnp.float32),
            pltpu.VMEM((SEQ, 2 * D), jnp.float32),
            pltpu.VMEM((SEQ, 2 * D), jnp.float32),
            pltpu.VMEM((SEQ, D), jnp.float32),
            pltpu.VMEM((SEQ, D), jnp.float32),
            pltpu.SemaphoreType.DMA((2,)),
            pltpu.SemaphoreType.DMA((2,)),
        ],
        compiler_params=pltpu.CompilerParams(
            use_tc_tiling_on_sc=True, needs_layout_passes=False,
        ),
    )
    return f(idx, tabp, pos2)


def kernel(x, token_table, pos_table):
    x_flat = x.reshape(ROWS).astype(jnp.int32)
    tabp = jnp.pad(token_table, ((0, 0), (0, D)))
    pos2 = pos_table.reshape(HSEQ, 2 * D)
    return _embed(x_flat, tabp, pos2)

# --- scband reference (transcript-rebuilt; emitter-appended) ---
"""Pipeline reference for scband-transformer-embedding-35201551958171 (READ-ONLY COPY).

The authoritative reference and input builder live on the scoring server;
editing this copy changes nothing except your own understanding.
"""

import jax, jax.numpy as jnp
import numpy as np

VOCAB = 1000000
D_MODEL = 64
SEQ_LEN = 200
BATCH = 1024

def setup_inputs(seed: int = 0) -> dict:
    key = jax.random.key(seed)
    k1, k2, k3 = jax.random.split(key, 3)
    x = jax.random.randint(k1, (BATCH, SEQ_LEN), 0, VOCAB, dtype=jnp.int64 if jax.config.jax_enable_x64 else jnp.int32)
    token_table = jax.random.normal(k2, (VOCAB, D_MODEL), dtype=jnp.float32) * 0.02
    pos_table = jax.random.normal(k3, (SEQ_LEN, D_MODEL), dtype=jnp.float32) * 0.02
    return {"x": x, "token_table": token_table, "pos_table": pos_table}

def reference(x, token_table, pos_table):
    # token embedding: gather rows from the big table
    token_embedding = jnp.take(token_table, x, axis=0)  # [B, L, D]
    # position embedding: lookup positions 0..L-1, broadcast over batch
    x_len = x.shape[1]
    position = jnp.arange(x_len)
    position_embedding = jnp.take(pos_table, position, axis=0)[None, :, :]  # [1, L, D]
    scale = jnp.sqrt(jnp.float32(D_MODEL))
    output = token_embedding * scale + position_embedding
    # dropout with p=0.0 (eval) is identity
    return output

if __name__ == "__main__":
    import jax
    _d = setup_inputs()
    print(jax.jit(kernel)(*tuple(_d.values())))

</pallas_src>

<mosaic_0001>
#map = affine_map<(d0, d1) -> (0)>
#map1 = affine_map<(d0, d1) -> (0, 0)>
#map2 = affine_map<(d0, d1) -> (0, 0, 0)>
module attributes {stable_mosaic.version = 14 : i64} {
  func.func @_body(%arg0: i32, %arg1: i32, %arg2: memref<204800xi32, #tpu.memory_space<hbm>>, %arg3: memref<1000000x128xf32, #tpu.memory_space<hbm>>, %arg4: memref<100x128xf32, #tpu.memory_space<hbm>>, %arg5: memref<1024x200x64xf32, #tpu.memory_space<hbm>>, %arg6: memref<6400xi32, #tpu.memory_space<vmem>>, %arg7: memref<100x128xf32, #tpu.memory_space<vmem>>, %arg8: memref<200x128xf32, #tpu.memory_space<vmem>>, %arg9: memref<200x128xf32, #tpu.memory_space<vmem>>, %arg10: memref<200x64xf32, #tpu.memory_space<vmem>>, %arg11: memref<200x64xf32, #tpu.memory_space<vmem>>, %arg12: memref<2x!tpu.dma_semaphore, #tpu.memory_space<semaphore_mem>>, %arg13: memref<2x!tpu.dma_semaphore, #tpu.memory_space<semaphore_mem>>) attributes {dimension_semantics = [#tpu.dimension_semantics<core_parallel>, #tpu.dimension_semantics<subcore_parallel>], iteration_bounds = array<i64: 2, 16>, scalar_prefetch = 0 : i64, scratch_operands = 8 : i64, tpu.core_type = #tpu.core_type<sc_vector_subcore>, window_params = [{transform_indices = #map}, {transform_indices = #map1}, {transform_indices = #map1}, {transform_indices = #map2}]} {
    %mul3A = arith.constant 2 : i32
    %mul3A_0 = arith.muli %arg1, %mul3A : i32
    %add3A = arith.addi %mul3A_0, %arg0 : i32
    %mul3A_1 = arith.constant 32 : i32
    %mul3A_2 = arith.muli %add3A, %mul3A_1 : i32
    %mul3A_3 = arith.constant 200 : i32
    %mul3A_4 = arith.muli %mul3A_2, %mul3A_3 : i32
    "tpu.region"() ({
      %run_scoped3A = tpu.sem_alloc : memref<!tpu.dma_semaphore, #tpu.memory_space<semaphore_mem>>
      %dma_start3A_53 = tpu.memref_slice %arg2[%mul3A_4] : memref<204800xi32, #tpu.memory_space<hbm>> -> memref<6400xi32, #tpu.memory_space<hbm>>
      %dma_start3A_54 = tpu.memref_slice %arg2[%mul3A_4] : memref<204800xi32, #tpu.memory_space<hbm>> -> memref<6400xi32, #tpu.memory_space<hbm>>
      tpu.enqueue_dma source(%dma_start3A_54 : memref<6400xi32, #tpu.memory_space<hbm>>) target(%arg6 : memref<6400xi32, #tpu.memory_space<vmem>>) target_semaphore(%run_scoped3A : memref<!tpu.dma_semaphore, #tpu.memory_space<semaphore_mem>>)
      %dma_wait3A_55 = tpu.memref_slice %arg2[%mul3A_4] : memref<204800xi32, #tpu.memory_space<hbm>> -> memref<6400xi32, #tpu.memory_space<hbm>>
      %dma_wait3A_56 = tpu.memref_slice %arg2[%mul3A_4] : memref<204800xi32, #tpu.memory_space<hbm>> -> memref<6400xi32, #tpu.memory_space<hbm>>
      tpu.wait_dma2 semaphore(%run_scoped3A : memref<!tpu.dma_semaphore, #tpu.memory_space<semaphore_mem>>) src(%dma_wait3A_56 : memref<6400xi32, #tpu.memory_space<hbm>>) dst(%arg6 : memref<6400xi32, #tpu.memory_space<vmem>>)
      tpu.yield
    }) : () -> ()
    "tpu.region"() ({
      %run_scoped3A = tpu.sem_alloc : memref<!tpu.dma_semaphore, #tpu.memory_space<semaphore_mem>>
      tpu.enqueue_dma source(%arg4 : memref<100x128xf32, #tpu.memory_space<hbm>>) target(%arg7 : memref<100x128xf32, #tpu.memory_space<vmem>>) target_semaphore(%run_scoped3A : memref<!tpu.dma_semaphore, #tpu.memory_space<semaphore_mem>>)
      tpu.wait_dma2 semaphore(%run_scoped3A : memref<!tpu.dma_semaphore, #tpu.memory_space<semaphore_mem>>) src(%arg4 : memref<100x128xf32, #tpu.memory_space<hbm>>) dst(%arg7 : memref<100x128xf32, #tpu.memory_space<vmem>>)
      tpu.yield
    }) : () -> ()
    %dma_start3A = arith.constant 0 : i32
    %dma_start3A_5 = arith.constant 0 : i32
    %dma_start3A_6 = arith.constant 0 : i32
    %dma_start3A_7 = tpu.memref_slice %arg8[%dma_start3A_5, %dma_start3A_6] : memref<200x128xf32, #tpu.memory_space<vmem>> -> memref<128x128xf32, #tpu.memory_space<vmem>>
    %dma_start3A_8 = arith.constant 0 : i32
    %dma_start3A_9 = tpu.memref_slice %arg6[%dma_start3A_8] : memref<6400xi32, #tpu.memory_space<vmem>> -> memref<128xi32, #tpu.memory_space<vmem>>
    %dma_start3A_10 = arith.constant 0 : i32
    %dma_start3A_11 = arith.constant 0 : i32
    %dma_start3A_12 = tpu.memref_slice %arg3[%dma_start3A_10, %dma_start3A_11] : memref<1000000x128xf32, #tpu.memory_space<hbm>> -> memref<1000000x128xf32, #tpu.memory_space<hbm>>
    %dma_start3A_13 = tpu.memref_slice %arg12[%dma_start3A] : memref<2x!tpu.dma_semaphore, #tpu.memory_space<semaphore_mem>> -> memref<1x!tpu.dma_semaphore, #tpu.memory_space<semaphore_mem>>
    %dma_start3A_14 = tpu.memref_squeeze %dma_start3A_13 : memref<1x!tpu.dma_semaphore, #tpu.memory_space<semaphore_mem>> -> memref<!tpu.dma_semaphore, #tpu.memory_space<semaphore_mem>>
    tpu.enqueue_indirect_dma source(%dma_start3A_12 : memref<1000000x128xf32, #tpu.memory_space<hbm>>) target(%dma_start3A_7 : memref<128x128xf32, #tpu.memory_space<vmem>>) offsets(%dma_start3A_9 : memref<128xi32, #tpu.memory_space<vmem>>) semaphore(%dma_start3A_14 : memref<!tpu.dma_semaphore, #tpu.memory_space<semaphore_mem>>)
    %dma_start3A_15 = arith.constant 0 : i32
    %dma_start3A_16 = arith.constant 128 : i32
    %dma_start3A_17 = arith.constant 0 : i32
    %dma_start3A_18 = tpu.memref_slice %arg8[%dma_start3A_16, %dma_start3A_17] : memref<200x128xf32, #tpu.memory_space<vmem>> -> memref<72x128xf32, #tpu.memory_space<vmem>>
    %dma_start3A_19 = arith.constant 128 : i32
    %dma_start3A_20 = tpu.memref_slice %arg6[%dma_start3A_19] : memref<6400xi32, #tpu.memory_space<vmem>> -> memref<72xi32, #tpu.memory_space<vmem>>
    %dma_start3A_21 = arith.constant 0 : i32
    %dma_start3A_22 = arith.constant 0 : i32
    %dma_start3A_23 = tpu.memref_slice %arg3[%dma_start3A_21, %dma_start3A_22] : memref<1000000x128xf32, #tpu.memory_space<hbm>> -> memref<1000000x128xf32, #tpu.memory_space<hbm>>
    %dma_start3A_24 = tpu.memref_slice %arg12[%dma_start3A_15] : memref<2x!tpu.dma_semaphore, #tpu.memory_space<semaphore_mem>> -> memref<1x!tpu.dma_semaphore, #tpu.memory_space<semaphore_mem>>
    %dma_start3A_25 = tpu.memref_squeeze %dma_start3A_24 : memref<1x!tpu.dma_semaphore, #tpu.memory_space<semaphore_mem>> -> memref<!tpu.dma_semaphore, #tpu.memory_space<semaphore_mem>>
    tpu.enqueue_indirect_dma source(%dma_start3A_23 : memref<1000000x128xf32, #tpu.memory_space<hbm>>) target(%dma_start3A_18 : memref<72x128xf32, #tpu.memory_space<vmem>>) offsets(%dma_start3A_20 : memref<72xi32, #tpu.memory_space<vmem>>) semaphore(%dma_start3A_25 : memref<!tpu.dma_semaphore, #tpu.memory_space<semaphore_mem>>)
    %scan3A = arith.constant 0 : i32
    %scan3A_26 = arith.constant 16 : i32
    %scan3A_27 = arith.addi %scan3A, %scan3A_26 : i32
    %scan3A_28 = arith.constant 1 : i32
    scf.for %scan3A_53 = %scan3A to %scan3A_27 step %scan3A_28  : i32 {
      %mul3A_54 = arith.constant 2 : i32
      %mul3A_55 = arith.muli %scan3A_53, %mul3A_54 : i32
      %add3A_56 = arith.constant 0 : i32
      %add3A_57 = arith.addi %add3A_56, %mul3A_55 : i32
      %add3A_58 = arith.constant 0 : i32
      %add3A_59 = arith.addi %add3A_57, %add3A_58 : i32
      %add3A_60 = arith.constant 1 : i32
      %add3A_61 = arith.addi %add3A_59, %add3A_60 : i32
      %lt3A = arith.constant 32 : i32
      %lt3A_62 = arith.cmpi slt, %add3A_61, %lt3A : i32
      %convert_element_type3A = arith.extui %lt3A_62 : i1 to i32
      %cond3A = arith.constant 0 : i32
      %cond3A_63 = arith.cmpi ne, %convert_element_type3A, %cond3A : i32
      scf.if %cond3A_63 {
        %add3A_129 = arith.constant 1 : i32
        %add3A_130 = arith.addi %add3A_59, %add3A_129 : i32
        %mul3A_131 = arith.constant 200 : i32
        %mul3A_132 = arith.muli %add3A_130, %mul3A_131 : i32
        %add3A_133 = arith.constant 0 : i32
        %add3A_134 = arith.addi %mul3A_132, %add3A_133 : i32
        %dma_start3A_135 = arith.constant 1 : i32
        %dma_start3A_136 = arith.constant 0 : i32
        %dma_start3A_137 = arith.constant 0 : i32
        %dma_start3A_138 = tpu.memref_slice %arg9[%dma_start3A_136, %dma_start3A_137] : memref<200x128xf32, #tpu.memory_space<vmem>> -> memref<128x128xf32, #tpu.memory_space<vmem>>
        %dma_start3A_139 = tpu.memref_slice %arg6[%add3A_134] : memref<6400xi32, #tpu.memory_space<vmem>> -> memref<128xi32, #tpu.memory_space<vmem>>
        %dma_start3A_140 = arith.constant 0 : i32
        %dma_start3A_141 = arith.constant 0 : i32
        %dma_start3A_142 = tpu.memref_slice %arg3[%dma_start3A_140, %dma_start3A_141] : memref<1000000x128xf32, #tpu.memory_space<hbm>> -> memref<1000000x128xf32, #tpu.memory_space<hbm>>
        %dma_start3A_143 = tpu.memref_slice %arg12[%dma_start3A_135] : memref<2x!tpu.dma_semaphore, #tpu.memory_space<semaphore_mem>> -> memref<1x!tpu.dma_semaphore, #tpu.memory_space<semaphore_mem>>
        %dma_start3A_144 = tpu.memref_squeeze %dma_start3A_143 : memref<1x!tpu.dma_semaphore, #tpu.memory_space<semaphore_mem>> -> memref<!tpu.dma_semaphore, #tpu.memory_space<semaphore_mem>>
        tpu.enqueue_indirect_dma source(%dma_start3A_142 : memref<1000000x128xf32, #tpu.memory_space<hbm>>) target(%dma_start3A_138 : memref<128x128xf32, #tpu.memory_space<vmem>>) offsets(%dma_start3A_139 : memref<128xi32, #tpu.memory_space<vmem>>) semaphore(%dma_start3A_144 : memref<!tpu.dma_semaphore, #tpu.memory_space<semaphore_mem>>)
        %add3A_145 = arith.constant 128 : i32
        %add3A_146 = arith.addi %mul3A_132, %add3A_145 : i32
        %dma_start3A_147 = arith.constant 1 : i32
        %dma_start3A_148 = arith.constant 128 : i32
        %dma_start3A_149 = arith.constant 0 : i32
        %dma_start3A_150 = tpu.memref_slice %arg9[%dma_start3A_148, %dma_start3A_149] : memref<200x128xf32, #tpu.memory_space<vmem>> -> memref<72x128xf32, #tpu.memory_space<vmem>>
        %dma_start3A_151 = tpu.memref_slice %arg6[%add3A_146] : memref<6400xi32, #tpu.memory_space<vmem>> -> memref<72xi32, #tpu.memory_space<vmem>>
        %dma_start3A_152 = arith.constant 0 : i32
        %dma_start3A_153 = arith.constant 0 : i32
        %dma_start3A_154 = tpu.memref_slice %arg3[%dma_start3A_152, %dma_start3A_153] : memref<1000000x128xf32, #tpu.memory_space<hbm>> -> memref<1000000x128xf32, #tpu.memory_space<hbm>>
        %dma_start3A_155 = tpu.memref_slice %arg12[%dma_start3A_147] : memref<2x!tpu.dma_semaphore, #tpu.memory_space<semaphore_mem>> -> memref<1x!tpu.dma_semaphore, #tpu.memory_space<semaphore_mem>>
        %dma_start3A_156 = tpu.memref_squeeze %dma_start3A_155 : memref<1x!tpu.dma_semaphore, #tpu.memory_space<semaphore_mem>> -> memref<!tpu.dma_semaphore, #tpu.memory_space<semaphore_mem>>
        tpu.enqueue_indirect_dma source(%dma_start3A_154 : memref<1000000x128xf32, #tpu.memory_space<hbm>>) target(%dma_start3A_150 : memref<72x128xf32, #tpu.memory_space<vmem>>) offsets(%dma_start3A_151 : memref<72xi32, #tpu.memory_space<vmem>>) semaphore(%dma_start3A_156 : memref<!tpu.dma_semaphore, #tpu.memory_space<semaphore_mem>>)
      } else {
      }
      %dma_wait3A_64 = arith.constant 0 : i32
      %dma_wait3A_65 = arith.constant 0 : i32
      %dma_wait3A_66 = arith.constant 0 : i32
      %dma_wait3A_67 = tpu.memref_slice %arg3[%dma_wait3A_65, %dma_wait3A_66] : memref<1000000x128xf32, #tpu.memory_space<hbm>> -> memref<200x128xf32, #tpu.memory_space<hbm>>
      %dma_wait3A_68 = tpu.memref_slice %arg12[%dma_wait3A_64] : memref<2x!tpu.dma_semaphore, #tpu.memory_space<semaphore_mem>> -> memref<1x!tpu.dma_semaphore, #tpu.memory_space<semaphore_mem>>
      %dma_wait3A_69 = tpu.memref_squeeze %dma_wait3A_68 : memref<1x!tpu.dma_semaphore, #tpu.memory_space<semaphore_mem>> -> memref<!tpu.dma_semaphore, #tpu.memory_space<semaphore_mem>>
      %dma_wait3A_70 = arith.constant 0 : i32
      %dma_wait3A_71 = arith.constant 0 : i32
      %dma_wait3A_72 = tpu.memref_slice %arg3[%dma_wait3A_70, %dma_wait3A_71] : memref<1000000x128xf32, #tpu.memory_space<hbm>> -> memref<200x128xf32, #tpu.memory_space<hbm>>
      tpu.wait_dma2 semaphore(%dma_wait3A_69 : memref<!tpu.dma_semaphore, #tpu.memory_space<semaphore_mem>>) src(%dma_wait3A_72 : memref<200x128xf32, #tpu.memory_space<hbm>>) dst(%arg8 : memref<200x128xf32, #tpu.memory_space<vmem>>)
      %ge3A = arith.constant 2 : i32
      %ge3A_73 = arith.cmpi sge, %add3A_59, %ge3A : i32
      %convert_element_type3A_74 = arith.extui %ge3A_73 : i1 to i32
      %cond3A_75 = arith.constant 0 : i32
      %cond3A_76 = arith.cmpi ne, %convert_element_type3A_74, %cond3A_75 : i32
      scf.if %cond3A_76 {
        %dma_wait3A_129 = arith.constant 0 : i32
        %dma_wait3A_130 = arith.constant 0 : i32
        %dma_wait3A_131 = arith.constant 0 : i32
        %dma_wait3A_132 = arith.constant 0 : i32
        %dma_wait3A_133 = tpu.memref_slice %arg5[%dma_wait3A_129, %dma_wait3A_131, %dma_wait3A_132] : memref<1024x200x64xf32, #tpu.memory_space<hbm>> -> memref<1x200x64xf32, #tpu.memory_space<hbm>>
        %dma_wait3A_134 = tpu.memref_squeeze %dma_wait3A_133 : memref<1x200x64xf32, #tpu.memory_space<hbm>> -> memref<200x64xf32, #tpu.memory_space<hbm>>
        %dma_wait3A_135 = tpu.memref_slice %arg13[%dma_wait3A_130] : memref<2x!tpu.dma_semaphore, #tpu.memory_space<semaphore_mem>> -> memref<1x!tpu.dma_semaphore, #tpu.memory_space<semaphore_mem>>
        %dma_wait3A_136 = tpu.memref_squeeze %dma_wait3A_135 : memref<1x!tpu.dma_semaphore, #tpu.memory_space<semaphore_mem>> -> memref<!tpu.dma_semaphore, #tpu.memory_space<semaphore_mem>>
        %dma_wait3A_137 = arith.constant 0 : i32
        %dma_wait3A_138 = arith.constant 0 : i32
        %dma_wait3A_139 = tpu.memref_slice %arg5[%dma_wait3A_129, %dma_wait3A_137, %dma_wait3A_138] : memref<1024x200x64xf32, #tpu.memory_space<hbm>> -> memref<1x200x64xf32, #tpu.memory_space<hbm>>
        %dma_wait3A_140 = tpu.memref_squeeze %dma_wait3A_139 : memref<1x200x64xf32, #tpu.memory_space<hbm>> -> memref<200x64xf32, #tpu.memory_space<hbm>>
        tpu.wait_dma2 semaphore(%dma_wait3A_136 : memref<!tpu.dma_semaphore, #tpu.memory_space<semaphore_mem>>) src(%dma_wait3A_140 : memref<200x64xf32, #tpu.memory_space<hbm>>) dst(%arg10 : memref<200x64xf32, #tpu.memory_space<vmem>>)
      } else {
      }
      %parallel_loop3A = arith.constant 0 : i32
      %parallel_loop3A_77 = arith.constant 200 : i32
      %parallel_loop3A_78 = arith.constant 1 : i32
      scf.for %parallel_loop3A_129 = %parallel_loop3A to %parallel_loop3A_77 step %parallel_loop3A_78  : i32 {
        %parallel_loop3A_130 = arith.index_cast %parallel_loop3A_129 : i32 to index
        %parallel_loop3A_131 = arith.constant 0 : index
        %parallel_loop3A_132 = tpu.vector_load %arg8[%parallel_loop3A_130, %parallel_loop3A_131] {strides = array<i32>} : memref<200x128xf32, #tpu.memory_space<vmem>>, vector<16xf32>,
        %parallel_loop3A_133 = arith.constant 8.000000e+00 : f32
        %parallel_loop3A_134 = vector.broadcast %parallel_loop3A_133 : f32 to vector<16xf32>
        %parallel_loop3A_135 = arith.mulf %parallel_loop3A_132, %parallel_loop3A_134 : vector<16xf32>
        %parallel_loop3A_136 = arith.constant 2 : i32
        %parallel_loop3A_137 = arith.divsi %parallel_loop3A_129, %parallel_loop3A_136 : i32
        %parallel_loop3A_138 = arith.constant 0 : i32
        %parallel_loop3A_139 = arith.cmpi sgt, %parallel_loop3A_129, %parallel_loop3A_138 : i32
        %parallel_loop3A_140 = arith.extui %parallel_loop3A_139 : i1 to i32
        %parallel_loop3A_141 = arith.constant 0 : i32
        %parallel_loop3A_142 = arith.cmpi slt, %parallel_loop3A_129, %parallel_loop3A_141 : i32
        %parallel_loop3A_143 = arith.extui %parallel_loop3A_142 : i1 to i32
        %parallel_loop3A_144 = arith.subi %parallel_loop3A_140, %parallel_loop3A_143 : i32
        %parallel_loop3A_145 = arith.constant 0 : i32
        %parallel_loop3A_146 = arith.cmpi sgt, %parallel_loop3A_136, %parallel_loop3A_145 : i32
        %parallel_loop3A_147 = arith.extui %parallel_loop3A_146 : i1 to i32
        %parallel_loop3A_148 = arith.constant 0 : i32
        %parallel_loop3A_149 = arith.cmpi slt, %parallel_loop3A_136, %parallel_loop3A_148 : i32
        %parallel_loop3A_150 = arith.extui %parallel_loop3A_149 : i1 to i32
        %parallel_loop3A_151 = arith.subi %parallel_loop3A_147, %parallel_loop3A_150 : i32
        %parallel_loop3A_152 = arith.cmpi ne, %parallel_loop3A_144, %parallel_loop3A_151 : i32
        %parallel_loop3A_153 = arith.remsi %parallel_loop3A_129, %parallel_loop3A_136 : i32
        %parallel_loop3A_154 = arith.constant 0 : i32
        %parallel_loop3A_155 = arith.cmpi ne, %parallel_loop3A_153, %parallel_loop3A_154 : i32
        %parallel_loop3A_156 = arith.andi %parallel_loop3A_152, %parallel_loop3A_155 : i1
        %parallel_loop3A_157 = arith.constant 1 : i32
        %parallel_loop3A_158 = arith.subi %parallel_loop3A_137, %parallel_loop3A_157 : i32
        %parallel_loop3A_159 = arith.select %parallel_loop3A_156, %parallel_loop3A_158, %parallel_loop3A_137 : i32
        %parallel_loop3A_160 = arith.constant 2 : i32
        %parallel_loop3A_161 = arith.constant 0 : i32
        %parallel_loop3A_162 = arith.cmpi eq, %parallel_loop3A_160, %parallel_loop3A_161 : i32
        %parallel_loop3A_163 = arith.constant 1 : i32
        %parallel_loop3A_164 = arith.select %parallel_loop3A_162, %parallel_loop3A_163, %parallel_loop3A_160 : i32
        %parallel_loop3A_165 = arith.remsi %parallel_loop3A_129, %parallel_loop3A_164 : i32
        %parallel_loop3A_166 = arith.constant 0 : i32
        %parallel_loop3A_167 = arith.cmpi ne, %parallel_loop3A_165, %parallel_loop3A_166 : i32
        %parallel_loop3A_168 = arith.constant 0 : i32
        %parallel_loop3A_169 = arith.cmpi slt, %parallel_loop3A_165, %parallel_loop3A_168 : i32
        %parallel_loop3A_170 = arith.constant 0 : i32
        %parallel_loop3A_171 = arith.cmpi slt, %parallel_loop3A_164, %parallel_loop3A_170 : i32
        %parallel_loop3A_172 = arith.xori %parallel_loop3A_169, %parallel_loop3A_171 : i1
        %parallel_loop3A_173 = arith.andi %parallel_loop3A_172, %parallel_loop3A_167 : i1
        %parallel_loop3A_174 = arith.addi %parallel_loop3A_165, %parallel_loop3A_164 : i32
        %parallel_loop3A_175 = arith.select %parallel_loop3A_173, %parallel_loop3A_174, %parallel_loop3A_165 : i32
        %parallel_loop3A_176 = arith.constant 64 : i32
        %parallel_loop3A_177 = arith.muli %parallel_loop3A_175, %parallel_loop3A_176 : i32
        %parallel_loop3A_178 = arith.constant 0 : i32
        %parallel_loop3A_179 = arith.addi %parallel_loop3A_177, %parallel_loop3A_178 : i32
        %parallel_loop3A_180 = arith.index_cast %parallel_loop3A_159 : i32 to index
        %parallel_loop3A_181 = arith.index_cast %parallel_loop3A_179 : i32 to index
        %parallel_loop3A_182 = tpu.vector_load %arg7[%parallel_loop3A_180, %parallel_loop3A_181] {strides = array<i32>} : memref<100x128xf32, #tpu.memory_space<vmem>>, vector<16xf32>,
        %parallel_loop3A_183 = arith.addf %parallel_loop3A_135, %parallel_loop3A_182 : vector<16xf32>
        %parallel_loop3A_184 = arith.index_cast %parallel_loop3A_129 : i32 to index
        %parallel_loop3A_185 = arith.constant 0 : index
        %parallel_loop3A_186 = tpu.vector_load %arg10[%parallel_loop3A_184, %parallel_loop3A_185] {strides = array<i32>} : memref<200x64xf32, #tpu.memory_space<vmem>>, vector<16xf32>,
        tpu.vector_store %arg10[%parallel_loop3A_184, %parallel_loop3A_185], %parallel_loop3A_183 {strides = array<i32>} : memref<200x64xf32, #tpu.memory_space<vmem>>, vector<16xf32>,
        %parallel_loop3A_187 = arith.index_cast %parallel_loop3A_129 : i32 to index
        %parallel_loop3A_188 = arith.constant 16 : index
        %parallel_loop3A_189 = tpu.vector_load %arg8[%parallel_loop3A_187, %parallel_loop3A_188] {strides = array<i32>} : memref<200x128xf32, #tpu.memory_space<vmem>>, vector<16xf32>,
        %parallel_loop3A_190 = arith.constant 8.000000e+00 : f32
        %parallel_loop3A_191 = vector.broadcast %parallel_loop3A_190 : f32 to vector<16xf32>
        %parallel_loop3A_192 = arith.mulf %parallel_loop3A_189, %parallel_loop3A_191 : vector<16xf32>
        %parallel_loop3A_193 = arith.constant 2 : i32
        %parallel_loop3A_194 = arith.divsi %parallel_loop3A_129, %parallel_loop3A_193 : i32
        %parallel_loop3A_195 = arith.constant 0 : i32
        %parallel_loop3A_196 = arith.cmpi sgt, %parallel_loop3A_129, %parallel_loop3A_195 : i32
        %parallel_loop3A_197 = arith.extui %parallel_loop3A_196 : i1 to i32
        %parallel_loop3A_198 = arith.constant 0 : i32
        %parallel_loop3A_199 = arith.cmpi slt, %parallel_loop3A_129, %parallel_loop3A_198 : i32
        %parallel_loop3A_200 = arith.extui %parallel_loop3A_199 : i1 to i32
        %parallel_loop3A_201 = arith.subi %parallel_loop3A_197, %parallel_loop3A_200 : i32
        %parallel_loop3A_202 = arith.constant 0 : i32
        %parallel_loop3A_203 = arith.cmpi sgt, %parallel_loop3A_193, %parallel_loop3A_202 : i32
        %parallel_loop3A_204 = arith.extui %parallel_loop3A_203 : i1 to i32
        %parallel_loop3A_205 = arith.constant 0 : i32
        %parallel_loop3A_206 = arith.cmpi slt, %parallel_loop3A_193, %parallel_loop3A_205 : i32
        %parallel_loop3A_207 = arith.extui %parallel_loop3A_206 : i1 to i32
        %parallel_loop3A_208 = arith.subi %parallel_loop3A_204, %parallel_loop3A_207 : i32
        %parallel_loop3A_209 = arith.cmpi ne, %parallel_loop3A_201, %parallel_loop3A_208 : i32
        %parallel_loop3A_210 = arith.remsi %parallel_loop3A_129, %parallel_loop3A_193 : i32
        %parallel_loop3A_211 = arith.constant 0 : i32
        %parallel_loop3A_212 = arith.cmpi ne, %parallel_loop3A_210, %parallel_loop3A_211 : i32
        %parallel_loop3A_213 = arith.andi %parallel_loop3A_209, %parallel_loop3A_212 : i1
        %parallel_loop3A_214 = arith.constant 1 : i32
        %parallel_loop3A_215 = arith.subi %parallel_loop3A_194, %parallel_loop3A_214 : i32
        %parallel_loop3A_216 = arith.select %parallel_loop3A_213, %parallel_loop3A_215, %parallel_loop3A_194 : i32
        %parallel_loop3A_217 = arith.constant 2 : i32
        %parallel_loop3A_218 = arith.constant 0 : i32
        %parallel_loop3A_219 = arith.cmpi eq, %parallel_loop3A_217, %parallel_loop3A_218 : i32
        %parallel_loop3A_220 = arith.constant 1 : i32
        %parallel_loop3A_221 = arith.select %parallel_loop3A_219, %parallel_loop3A_220, %parallel_loop3A_217 : i32
        %parallel_loop3A_222 = arith.remsi %parallel_loop3A_129, %parallel_loop3A_221 : i32
        %parallel_loop3A_223 = arith.constant 0 : i32
        %parallel_loop3A_224 = arith.cmpi ne, %parallel_loop3A_222, %parallel_loop3A_223 : i32
        %parallel_loop3A_225 = arith.constant 0 : i32
        %parallel_loop3A_226 = arith.cmpi slt, %parallel_loop3A_222, %parallel_loop3A_225 : i32
        %parallel_loop3A_227 = arith.constant 0 : i32
        %parallel_loop3A_228 = arith.cmpi slt, %parallel_loop3A_221, %parallel_loop3A_227 : i32
        %parallel_loop3A_229 = arith.xori %parallel_loop3A_226, %parallel_loop3A_228 : i1
        %parallel_loop3A_230 = arith.andi %parallel_loop3A_229, %parallel_loop3A_224 : i1
        %parallel_loop3A_231 = arith.addi %parallel_loop3A_222, %parallel_loop3A_221 : i32
        %parallel_loop3A_232 = arith.select %parallel_loop3A_230, %parallel_loop3A_231, %parallel_loop3A_222 : i32
        %parallel_loop3A_233 = arith.constant 64 : i32
        %parallel_loop3A_234 = arith.muli %parallel_loop3A_232, %parallel_loop3A_233 : i32
        %parallel_loop3A_235 = arith.constant 16 : i32
        %parallel_loop3A_236 = arith.addi %parallel_loop3A_234, %parallel_loop3A_235 : i32
        %parallel_loop3A_237 = arith.index_cast %parallel_loop3A_216 : i32 to index
        %parallel_loop3A_238 = arith.index_cast %parallel_loop3A_236 : i32 to index
        %parallel_loop3A_239 = tpu.vector_load %arg7[%parallel_loop3A_237, %parallel_loop3A_238] {strides = array<i32>} : memref<100x128xf32, #tpu.memory_space<vmem>>, vector<16xf32>,
        %parallel_loop3A_240 = arith.addf %parallel_loop3A_192, %parallel_loop3A_239 : vector<16xf32>
        %parallel_loop3A_241 = arith.index_cast %parallel_loop3A_129 : i32 to index
        %parallel_loop3A_242 = arith.constant 16 : index
        %parallel_loop3A_243 = tpu.vector_load %arg10[%parallel_loop3A_241, %parallel_loop3A_242] {strides = array<i32>} : memref<200x64xf32, #tpu.memory_space<vmem>>, vector<16xf32>,
        tpu.vector_store %arg10[%parallel_loop3A_241, %parallel_loop3A_242], %parallel_loop3A_240 {strides = array<i32>} : memref<200x64xf32, #tpu.memory_space<vmem>>, vector<16xf32>,
        %parallel_loop3A_244 = arith.index_cast %parallel_loop3A_129 : i32 to index
        %parallel_loop3A_245 = arith.constant 32 : index
        %parallel_loop3A_246 = tpu.vector_load %arg8[%parallel_loop3A_244, %parallel_loop3A_245] {strides = array<i32>} : memref<200x128xf32, #tpu.memory_space<vmem>>, vector<16xf32>,
        %parallel_loop3A_247 = arith.constant 8.000000e+00 : f32
        %parallel_loop3A_248 = vector.broadcast %parallel_loop3A_247 : f32 to vector<16xf32>
        %parallel_loop3A_249 = arith.mulf %parallel_loop3A_246, %parallel_loop3A_248 : vector<16xf32>
        %parallel_loop3A_250 = arith.constant 2 : i32
        %parallel_loop3A_251 = arith.divsi %parallel_loop3A_129, %parallel_loop3A_250 : i32
        %parallel_loop3A_252 = arith.constant 0 : i32
        %parallel_loop3A_253 = arith.cmpi sgt, %parallel_loop3A_129, %parallel_loop3A_252 : i32
        %parallel_loop3A_254 = arith.extui %parallel_loop3A_253 : i1 to i32
        %parallel_loop3A_255 = arith.constant 0 : i32
        %parallel_loop3A_256 = arith.cmpi slt, %parallel_loop3A_129, %parallel_loop3A_255 : i32
        %parallel_loop3A_257 = arith.extui %parallel_loop3A_256 : i1 to i32
        %parallel_loop3A_258 = arith.subi %parallel_loop3A_254, %parallel_loop3A_257 : i32
        %parallel_loop3A_259 = arith.constant 0 : i32
        %parallel_loop3A_260 = arith.cmpi sgt, %parallel_loop3A_250, %parallel_loop3A_259 : i32
        %parallel_loop3A_261 = arith.extui %parallel_loop3A_260 : i1 to i32
        %parallel_loop3A_262 = arith.constant 0 : i32
        %parallel_loop3A_263 = arith.cmpi slt, %parallel_loop3A_250, %parallel_loop3A_262 : i32
        %parallel_loop3A_264 = arith.extui %parallel_loop3A_263 : i1 to i32
        %parallel_loop3A_265 = arith.subi %parallel_loop3A_261, %parallel_loop3A_264 : i32
        %parallel_loop3A_266 = arith.cmpi ne, %parallel_loop3A_258, %parallel_loop3A_265 : i32
        %parallel_loop3A_267 = arith.remsi %parallel_loop3A_129, %parallel_loop3A_250 : i32
        %parallel_loop3A_268 = arith.constant 0 : i32
        %parallel_loop3A_269 = arith.cmpi ne, %parallel_loop3A_267, %parallel_loop3A_268 : i32
        %parallel_loop3A_270 = arith.andi %parallel_loop3A_266, %parallel_loop3A_269 : i1
        %parallel_loop3A_271 = arith.constant 1 : i32
        %parallel_loop3A_272 = arith.subi %parallel_loop3A_251, %parallel_loop3A_271 : i32
        %parallel_loop3A_273 = arith.select %parallel_loop3A_270, %parallel_loop3A_272, %parallel_loop3A_251 : i32
        %parallel_loop3A_274 = arith.constant 2 : i32
        %parallel_loop3A_275 = arith.constant 0 : i32
        %parallel_loop3A_276 = arith.cmpi eq, %parallel_loop3A_274, %parallel_loop3A_275 : i32
        %parallel_loop3A_277 = arith.constant 1 : i32
        %parallel_loop3A_278 = arith.select %parallel_loop3A_276, %parallel_loop3A_277, %parallel_loop3A_274 : i32
        %parallel_loop3A_279 = arith.remsi %parallel_loop3A_129, %parallel_loop3A_278 : i32
        %parallel_loop3A_280 = arith.constant 0 : i32
        %parallel_loop3A_281 = arith.cmpi ne, %parallel_loop3A_279, %parallel_loop3A_280 : i32
        %parallel_loop3A_282 = arith.constant 0 : i32
        %parallel_loop3A_283 = arith.cmpi slt, %parallel_loop3A_279, %parallel_loop3A_282 : i32
        %parallel_loop3A_284 = arith.constant 0 : i32
        %parallel_loop3A_285 = arith.cmpi slt, %parallel_loop3A_278, %parallel_loop3A_284 : i32
        %parallel_loop3A_286 = arith.xori %parallel_loop3A_283, %parallel_loop3A_285 : i1
        %parallel_loop3A_287 = arith.andi %parallel_loop3A_286, %parallel_loop3A_281 : i1
        %parallel_loop3A_288 = arith.addi %parallel_loop3A_279, %parallel_loop3A_278 : i32
        %parallel_loop3A_289 = arith.select %parallel_loop3A_287, %parallel_loop3A_288, %parallel_loop3A_279 : i32
        %parallel_loop3A_290 = arith.constant 64 : i32
        %parallel_loop3A_291 = arith.muli %parallel_loop3A_289, %parallel_loop3A_290 : i32
        %parallel_loop3A_292 = arith.constant 32 : i32
        %parallel_loop3A_293 = arith.addi %parallel_loop3A_291, %parallel_loop3A_292 : i32
        %parallel_loop3A_294 = arith.index_cast %parallel_loop3A_273 : i32 to index
        %parallel_loop3A_295 = arith.index_cast %parallel_loop3A_293 : i32 to index
        %parallel_loop3A_296 = tpu.vector_load %arg7[%parallel_loop3A_294, %parallel_loop3A_295] {strides = array<i32>} : memref<100x128xf32, #tpu.memory_space<vmem>>, vector<16xf32>,
        %parallel_loop3A_297 = arith.addf %parallel_loop3A_249, %parallel_loop3A_296 : vector<16xf32>
        %parallel_loop3A_298 = arith.index_cast %parallel_loop3A_129 : i32 to index
        %parallel_loop3A_299 = arith.constant 32 : index
        %parallel_loop3A_300 = tpu.vector_load %arg10[%parallel_loop3A_298, %parallel_loop3A_299] {strides = array<i32>} : memref<200x64xf32, #tpu.memory_space<vmem>>, vector<16xf32>,
        tpu.vector_store %arg10[%parallel_loop3A_298, %parallel_loop3A_299], %parallel_loop3A_297 {strides = array<i32>} : memref<200x64xf32, #tpu.memory_space<vmem>>, vector<16xf32>,
        %parallel_loop3A_301 = arith.index_cast %parallel_loop3A_129 : i32 to index
        %parallel_loop3A_302 = arith.constant 48 : index
        %parallel_loop3A_303 = tpu.vector_load %arg8[%parallel_loop3A_301, %parallel_loop3A_302] {strides = array<i32>} : memref<200x128xf32, #tpu.memory_space<vmem>>, vector<16xf32>,
        %parallel_loop3A_304 = arith.constant 8.000000e+00 : f32
        %parallel_loop3A_305 = vector.broadcast %parallel_loop3A_304 : f32 to vector<16xf32>
        %parallel_loop3A_306 = arith.mulf %parallel_loop3A_303, %parallel_loop3A_305 : vector<16xf32>
        %parallel_loop3A_307 = arith.constant 2 : i32
        %parallel_loop3A_308 = arith.divsi %parallel_loop3A_129, %parallel_loop3A_307 : i32
        %parallel_loop3A_309 = arith.constant 0 : i32
        %parallel_loop3A_310 = arith.cmpi sgt, %parallel_loop3A_129, %parallel_loop3A_309 : i32
        %parallel_loop3A_311 = arith.extui %parallel_loop3A_310 : i1 to i32
        %parallel_loop3A_312 = arith.constant 0 : i32
        %parallel_loop3A_313 = arith.cmpi slt, %parallel_loop3A_129, %parallel_loop3A_312 : i32
        %parallel_loop3A_314 = arith.extui %parallel_loop3A_313 : i1 to i32
        %parallel_loop3A_315 = arith.subi %parallel_loop3A_311, %parallel_loop3A_314 : i32
        %parallel_loop3A_316 = arith.constant 0 : i32
        %parallel_loop3A_317 = arith.cmpi sgt, %parallel_loop3A_307, %parallel_loop3A_316 : i32
        %parallel_loop3A_318 = arith.extui %parallel_loop3A_317 : i1 to i32
        %parallel_loop3A_319 = arith.constant 0 : i32
        %parallel_loop3A_320 = arith.cmpi slt, %parallel_loop3A_307, %parallel_loop3A_319 : i32
        %parallel_loop3A_321 = arith.extui %parallel_loop3A_320 : i1 to i32
        %parallel_loop3A_322 = arith.subi %parallel_loop3A_318, %parallel_loop3A_321 : i32
        %parallel_loop3A_323 = arith.cmpi ne, %parallel_loop3A_315, %parallel_loop3A_322 : i32
        %parallel_loop3A_324 = arith.remsi %parallel_loop3A_129, %parallel_loop3A_307 : i32
        %parallel_loop3A_325 = arith.constant 0 : i32
        %parallel_loop3A_326 = arith.cmpi ne, %parallel_loop3A_324, %parallel_loop3A_325 : i32
        %parallel_loop3A_327 = arith.andi %parallel_loop3A_323, %parallel_loop3A_326 : i1
        %parallel_loop3A_328 = arith.constant 1 : i32
        %parallel_loop3A_329 = arith.subi %parallel_loop3A_308, %parallel_loop3A_328 : i32
        %parallel_loop3A_330 = arith.select %parallel_loop3A_327, %parallel_loop3A_329, %parallel_loop3A_308 : i32
        %parallel_loop3A_331 = arith.constant 2 : i32
        %parallel_loop3A_332 = arith.constant 0 : i32
        %parallel_loop3A_333 = arith.cmpi eq, %parallel_loop3A_331, %parallel_loop3A_332 : i32
        %parallel_loop3A_334 = arith.constant 1 : i32
        %parallel_loop3A_335 = arith.select %parallel_loop3A_333, %parallel_loop3A_334, %parallel_loop3A_331 : i32
        %parallel_loop3A_336 = arith.remsi %parallel_loop3A_129, %parallel_loop3A_335 : i32
        %parallel_loop3A_337 = arith.constant 0 : i32
        %parallel_loop3A_338 = arith.cmpi ne, %parallel_loop3A_336, %parallel_loop3A_337 : i32
        %parallel_loop3A_339 = arith.constant 0 : i32
        %parallel_loop3A_340 = arith.cmpi slt, %parallel_loop3A_336, %parallel_loop3A_339 : i32
        %parallel_loop3A_341 = arith.constant 0 : i32
        %parallel_loop3A_342 = arith.cmpi slt, %parallel_loop3A_335, %parallel_loop3A_341 : i32
        %parallel_loop3A_343 = arith.xori %parallel_loop3A_340, %parallel_loop3A_342 : i1
        %parallel_loop3A_344 = arith.andi %parallel_loop3A_343, %parallel_loop3A_338 : i1
        %parallel_loop3A_345 = arith.addi %parallel_loop3A_336, %parallel_loop3A_335 : i32
        %parallel_loop3A_346 = arith.select %parallel_loop3A_344, %parallel_loop3A_345, %parallel_loop3A_336 : i32
        %parallel_loop3A_347 = arith.constant 64 : i32
        %parallel_loop3A_348 = arith.muli %parallel_loop3A_346, %parallel_loop3A_347 : i32
        %parallel_loop3A_349 = arith.constant 48 : i32
        %parallel_loop3A_350 = arith.addi %parallel_loop3A_348, %parallel_loop3A_349 : i32
        %parallel_loop3A_351 = arith.index_cast %parallel_loop3A_330 : i32 to index
        %parallel_loop3A_352 = arith.index_cast %parallel_loop3A_350 : i32 to index
        %parallel_loop3A_353 = tpu.vector_load %arg7[%parallel_loop3A_351, %parallel_loop3A_352] {strides = array<i32>} : memref<100x128xf32, #tpu.memory_space<vmem>>, vector<16xf32>,
        %parallel_loop3A_354 = arith.addf %parallel_loop3A_306, %parallel_loop3A_353 : vector<16xf32>
        %parallel_loop3A_355 = arith.index_cast %parallel_loop3A_129 : i32 to index
        %parallel_loop3A_356 = arith.constant 48 : index
        %parallel_loop3A_357 = tpu.vector_load %arg10[%parallel_loop3A_355, %parallel_loop3A_356] {strides = array<i32>} : memref<200x64xf32, #tpu.memory_space<vmem>>, vector<16xf32>,
        tpu.vector_store %arg10[%parallel_loop3A_355, %parallel_loop3A_356], %parallel_loop3A_354 {strides = array<i32>} : memref<200x64xf32, #tpu.memory_space<vmem>>, vector<16xf32>,
      } {sc.loop_unroll_factor = 4 : i64, sc.parallel_access}
      %add3A_79 = arith.addi %mul3A_2, %add3A_59 : i32
      %dma_start3A_80 = arith.constant 0 : i32
      %dma_start3A_81 = arith.constant 0 : i32
      %dma_start3A_82 = arith.constant 0 : i32
      %dma_start3A_83 = tpu.memref_slice %arg5[%add3A_79, %dma_start3A_81, %dma_start3A_82] : memref<1024x200x64xf32, #tpu.memory_space<hbm>> -> memref<1x200x64xf32, #tpu.memory_space<hbm>>
      %dma_start3A_84 = tpu.memref_squeeze %dma_start3A_83 : memref<1x200x64xf32, #tpu.memory_space<hbm>> -> memref<200x64xf32, #tpu.memory_space<hbm>>
      %dma_start3A_85 = tpu.memref_slice %arg13[%dma_start3A_80] : memref<2x!tpu.dma_semaphore, #tpu.memory_space<semaphore_mem>> -> memref<1x!tpu.dma_semaphore, #tpu.memory_space<semaphore_mem>>
      %dma_start3A_86 = tpu.memref_squeeze %dma_start3A_85 : memref<1x!tpu.dma_semaphore, #tpu.memory_space<semaphore_mem>> -> memref<!tpu.dma_semaphore, #tpu.memory_space<semaphore_mem>>
      %dma_start3A_87 = arith.constant 0 : i32
      %dma_start3A_88 = arith.constant 0 : i32
      %dma_start3A_89 = tpu.memref_slice %arg5[%add3A_79, %dma_start3A_87, %dma_start3A_88] : memref<1024x200x64xf32, #tpu.memory_space<hbm>> -> memref<1x200x64xf32, #tpu.memory_space<hbm>>
      %dma_start3A_90 = tpu.memref_squeeze %dma_start3A_89 : memref<1x200x64xf32, #tpu.memory_space<hbm>> -> memref<200x64xf32, #tpu.memory_space<hbm>>
      tpu.enqueue_dma source(%arg10 : memref<200x64xf32, #tpu.memory_space<vmem>>) target(%dma_start3A_90 : memref<200x64xf32, #tpu.memory_space<hbm>>) target_semaphore(%dma_start3A_86 : memref<!tpu.dma_semaphore, #tpu.memory_space<semaphore_mem>>)
      %add3A_91 = arith.constant 1 : i32
      %add3A_92 = arith.addi %add3A_57, %add3A_91 : i32
      %add3A_93 = arith.constant 1 : i32
      %add3A_94 = arith.addi %add3A_92, %add3A_93 : i32
      %lt3A_95 = arith.constant 32 : i32
      %lt3A_96 = arith.cmpi slt, %add3A_94, %lt3A_95 : i32
      %convert_element_type3A_97 = arith.extui %lt3A_96 : i1 to i32
      %cond3A_98 = arith.constant 0 : i32
      %cond3A_99 = arith.cmpi ne, %convert_element_type3A_97, %cond3A_98 : i32
      scf.if %cond3A_99 {
        %add3A_129 = arith.constant 1 : i32
        %add3A_130 = arith.addi %add3A_92, %add3A_129 : i32
        %mul3A_131 = arith.constant 200 : i32
        %mul3A_132 = arith.muli %add3A_130, %mul3A_131 : i32
        %add3A_133 = arith.constant 0 : i32
        %add3A_134 = arith.addi %mul3A_132, %add3A_133 : i32
        %dma_start3A_135 = arith.constant 0 : i32
        %dma_start3A_136 = arith.constant 0 : i32
        %dma_start3A_137 = arith.constant 0 : i32
        %dma_start3A_138 = tpu.memref_slice %arg8[%dma_start3A_136, %dma_start3A_137] : memref<200x128xf32, #tpu.memory_space<vmem>> -> memref<128x128xf32, #tpu.memory_space<vmem>>
        %dma_start3A_139 = tpu.memref_slice %arg6[%add3A_134] : memref<6400xi32, #tpu.memory_space<vmem>> -> memref<128xi32, #tpu.memory_space<vmem>>
        %dma_start3A_140 = arith.constant 0 : i32
        %dma_start3A_141 = arith.constant 0 : i32
        %dma_start3A_142 = tpu.memref_slice %arg3[%dma_start3A_140, %dma_start3A_141] : memref<1000000x128xf32, #tpu.memory_space<hbm>> -> memref<1000000x128xf32, #tpu.memory_space<hbm>>
        %dma_start3A_143 = tpu.memref_slice %arg12[%dma_start3A_135] : memref<2x!tpu.dma_semaphore, #tpu.memory_space<semaphore_mem>> -> memref<1x!tpu.dma_semaphore, #tpu.memory_space<semaphore_mem>>
        %dma_start3A_144 = tpu.memref_squeeze %dma_start3A_143 : memref<1x!tpu.dma_semaphore, #tpu.memory_space<semaphore_mem>> -> memref<!tpu.dma_semaphore, #tpu.memory_space<semaphore_mem>>
        tpu.enqueue_indirect_dma source(%dma_start3A_142 : memref<1000000x128xf32, #tpu.memory_space<hbm>>) target(%dma_start3A_138 : memref<128x128xf32, #tpu.memory_space<vmem>>) offsets(%dma_start3A_139 : memref<128xi32, #tpu.memory_space<vmem>>) semaphore(%dma_start3A_144 : memref<!tpu.dma_semaphore, #tpu.memory_space<semaphore_mem>>)
        %add3A_145 = arith.constant 128 : i32
        %add3A_146 = arith.addi %mul3A_132, %add3A_145 : i32
        %dma_start3A_147 = arith.constant 0 : i32
        %dma_start3A_148 = arith.constant 128 : i32
        %dma_start3A_149 = arith.constant 0 : i32
        %dma_start3A_150 = tpu.memref_slice %arg8[%dma_start3A_148, %dma_start3A_149] : memref<200x128xf32, #tpu.memory_space<vmem>> -> memref<72x128xf32, #tpu.memory_space<vmem>>
        %dma_start3A_151 = tpu.memref_slice %arg6[%add3A_146] : memref<6400xi32, #tpu.memory_space<vmem>> -> memref<72xi32, #tpu.memory_space<vmem>>
        %dma_start3A_152 = arith.constant 0 : i32
        %dma_start3A_153 = arith.constant 0 : i32
        %dma_start3A_154 = tpu.memref_slice %arg3[%dma_start3A_152, %dma_start3A_153] : memref<1000000x128xf32, #tpu.memory_space<hbm>> -> memref<1000000x128xf32, #tpu.memory_space<hbm>>
        %dma_start3A_155 = tpu.memref_slice %arg12[%dma_start3A_147] : memref<2x!tpu.dma_semaphore, #tpu.memory_space<semaphore_mem>> -> memref<1x!tpu.dma_semaphore, #tpu.memory_space<semaphore_mem>>
        %dma_start3A_156 = tpu.memref_squeeze %dma_start3A_155 : memref<1x!tpu.dma_semaphore, #tpu.memory_space<semaphore_mem>> -> memref<!tpu.dma_semaphore, #tpu.memory_space<semaphore_mem>>
        tpu.enqueue_indirect_dma source(%dma_start3A_154 : memref<1000000x128xf32, #tpu.memory_space<hbm>>) target(%dma_start3A_150 : memref<72x128xf32, #tpu.memory_space<vmem>>) offsets(%dma_start3A_151 : memref<72xi32, #tpu.memory_space<vmem>>) semaphore(%dma_start3A_156 : memref<!tpu.dma_semaphore, #tpu.memory_space<semaphore_mem>>)
      } else {
      }
      %dma_wait3A_100 = arith.constant 1 : i32
      %dma_wait3A_101 = arith.constant 0 : i32
      %dma_wait3A_102 = arith.constant 0 : i32
      %dma_wait3A_103 = tpu.memref_slice %arg3[%dma_wait3A_101, %dma_wait3A_102] : memref<1000000x128xf32, #tpu.memory_space<hbm>> -> memref<200x128xf32, #tpu.memory_space<hbm>>
      %dma_wait3A_104 = tpu.memref_slice %arg12[%dma_wait3A_100] : memref<2x!tpu.dma_semaphore, #tpu.memory_space<semaphore_mem>> -> memref<1x!tpu.dma_semaphore, #tpu.memory_space<semaphore_mem>>
      %dma_wait3A_105 = tpu.memref_squeeze %dma_wait3A_104 : memref<1x!tpu.dma_semaphore, #tpu.memory_space<semaphore_mem>> -> memref<!tpu.dma_semaphore, #tpu.memory_space<semaphore_mem>>
      %dma_wait3A_106 = arith.constant 0 : i32
      %dma_wait3A_107 = arith.constant 0 : i32
      %dma_wait3A_108 = tpu.memref_slice %arg3[%dma_wait3A_106, %dma_wait3A_107] : memref<1000000x128xf32, #tpu.memory_space<hbm>> -> memref<200x128xf32, #tpu.memory_space<hbm>>
      tpu.wait_dma2 semaphore(%dma_wait3A_105 : memref<!tpu.dma_semaphore, #tpu.memory_space<semaphore_mem>>) src(%dma_wait3A_108 : memref<200x128xf32, #tpu.memory_space<hbm>>) dst(%arg9 : memref<200x128xf32, #tpu.memory_space<vmem>>)
      %ge3A_109 = arith.constant 2 : i32
      %ge3A_110 = arith.cmpi sge, %add3A_92, %ge3A_109 : i32
      %convert_element_type3A_111 = arith.extui %ge3A_110 : i1 to i32
      %cond3A_112 = arith.constant 0 : i32
      %cond3A_113 = arith.cmpi ne, %convert_element_type3A_111, %cond3A_112 : i32
      scf.if %cond3A_113 {
        %dma_wait3A_129 = arith.constant 0 : i32
        %dma_wait3A_130 = arith.constant 1 : i32
        %dma_wait3A_131 = arith.constant 0 : i32
        %dma_wait3A_132 = arith.constant 0 : i32
        %dma_wait3A_133 = tpu.memref_slice %arg5[%dma_wait3A_129, %dma_wait3A_131, %dma_wait3A_132] : memref<1024x200x64xf32, #tpu.memory_space<hbm>> -> memref<1x200x64xf32, #tpu.memory_space<hbm>>
        %dma_wait3A_134 = tpu.memref_squeeze %dma_wait3A_133 : memref<1x200x64xf32, #tpu.memory_space<hbm>> -> memref<200x64xf32, #tpu.memory_space<hbm>>
        %dma_wait3A_135 = tpu.memref_slice %arg13[%dma_wait3A_130] : memref<2x!tpu.dma_semaphore, #tpu.memory_space<semaphore_mem>> -> memref<1x!tpu.dma_semaphore, #tpu.memory_space<semaphore_mem>>
        %dma_wait3A_136 = tpu.memref_squeeze %dma_wait3A_135 : memref<1x!tpu.dma_semaphore, #tpu.memory_space<semaphore_mem>> -> memref<!tpu.dma_semaphore, #tpu.memory_space<semaphore_mem>>
        %dma_wait3A_137 = arith.constant 0 : i32
        %dma_wait3A_138 = arith.constant 0 : i32
        %dma_wait3A_139 = tpu.memref_slice %arg5[%dma_wait3A_129, %dma_wait3A_137, %dma_wait3A_138] : memref<1024x200x64xf32, #tpu.memory_space<hbm>> -> memref<1x200x64xf32, #tpu.memory_space<hbm>>
        %dma_wait3A_140 = tpu.memref_squeeze %dma_wait3A_139 : memref<1x200x64xf32, #tpu.memory_space<hbm>> -> memref<200x64xf32, #tpu.memory_space<hbm>>
        tpu.wait_dma2 semaphore(%dma_wait3A_136 : memref<!tpu.dma_semaphore, #tpu.memory_space<semaphore_mem>>) src(%dma_wait3A_140 : memref<200x64xf32, #tpu.memory_space<hbm>>) dst(%arg11 : memref<200x64xf32, #tpu.memory_space<vmem>>)
      } else {
      }
      %parallel_loop3A_114 = arith.constant 0 : i32
      %parallel_loop3A_115 = arith.constant 200 : i32
      %parallel_loop3A_116 = arith.constant 1 : i32
      scf.for %parallel_loop3A_129 = %parallel_loop3A_114 to %parallel_loop3A_115 step %parallel_loop3A_116  : i32 {
        %parallel_loop3A_130 = arith.index_cast %parallel_loop3A_129 : i32 to index
        %parallel_loop3A_131 = arith.constant 0 : index
        %parallel_loop3A_132 = tpu.vector_load %arg9[%parallel_loop3A_130, %parallel_loop3A_131] {strides = array<i32>} : memref<200x128xf32, #tpu.memory_space<vmem>>, vector<16xf32>,
        %parallel_loop3A_133 = arith.constant 8.000000e+00 : f32
        %parallel_loop3A_134 = vector.broadcast %parallel_loop3A_133 : f32 to vector<16xf32>
        %parallel_loop3A_135 = arith.mulf %parallel_loop3A_132, %parallel_loop3A_134 : vector<16xf32>
        %parallel_loop3A_136 = arith.constant 2 : i32
        %parallel_loop3A_137 = arith.divsi %parallel_loop3A_129, %parallel_loop3A_136 : i32
        %parallel_loop3A_138 = arith.constant 0 : i32
        %parallel_loop3A_139 = arith.cmpi sgt, %parallel_loop3A_129, %parallel_loop3A_138 : i32
        %parallel_loop3A_140 = arith.extui %parallel_loop3A_139 : i1 to i32
        %parallel_loop3A_141 = arith.constant 0 : i32
        %parallel_loop3A_142 = arith.cmpi slt, %parallel_loop3A_129, %parallel_loop3A_141 : i32
        %parallel_loop3A_143 = arith.extui %parallel_loop3A_142 : i1 to i32
        %parallel_loop3A_144 = arith.subi %parallel_loop3A_140, %parallel_loop3A_143 : i32
        %parallel_loop3A_145 = arith.constant 0 : i32
        %parallel_loop3A_146 = arith.cmpi sgt, %parallel_loop3A_136, %parallel_loop3A_145 : i32
        %parallel_loop3A_147 = arith.extui %parallel_loop3A_146 : i1 to i32
        %parallel_loop3A_148 = arith.constant 0 : i32
        %parallel_loop3A_149 = arith.cmpi slt, %parallel_loop3A_136, %parallel_loop3A_148 : i32
        %parallel_loop3A_150 = arith.extui %parallel_loop3A_149 : i1 to i32
        %parallel_loop3A_151 = arith.subi %parallel_loop3A_147, %parallel_loop3A_150 : i32
        %parallel_loop3A_152 = arith.cmpi ne, %parallel_loop3A_144, %parallel_loop3A_151 : i32
        %parallel_loop3A_153 = arith.remsi %parallel_loop3A_129, %parallel_loop3A_136 : i32
        %parallel_loop3A_154 = arith.constant 0 : i32
        %parallel_loop3A_155 = arith.cmpi ne, %parallel_loop3A_153, %parallel_loop3A_154 : i32
        %parallel_loop3A_156 = arith.andi %parallel_loop3A_152, %parallel_loop3A_155 : i1
        %parallel_loop3A_157 = arith.constant 1 : i32
        %parallel_loop3A_158 = arith.subi %parallel_loop3A_137, %parallel_loop3A_157 : i32
        %parallel_loop3A_159 = arith.select %parallel_loop3A_156, %parallel_loop3A_158, %parallel_loop3A_137 : i32
        %parallel_loop3A_160 = arith.constant 2 : i32
        %parallel_loop3A_161 = arith.constant 0 : i32
        %parallel_loop3A_162 = arith.cmpi eq, %parallel_loop3A_160, %parallel_loop3A_161 : i32
        %parallel_loop3A_163 = arith.constant 1 : i32
        %parallel_loop3A_164 = arith.select %parallel_loop3A_162, %parallel_loop3A_163, %parallel_loop3A_160 : i32
        %parallel_loop3A_165 = arith.remsi %parallel_loop3A_129, %parallel_loop3A_164 : i32
        %parallel_loop3A_166 = arith.constant 0 : i32
        %parallel_loop3A_167 = arith.cmpi ne, %parallel_loop3A_165, %parallel_loop3A_166 : i32
        %parallel_loop3A_168 = arith.constant 0 : i32
        %parallel_loop3A_169 = arith.cmpi slt, %parallel_loop3A_165, %parallel_loop3A_168 : i32
        %parallel_loop3A_170 = arith.constant 0 : i32
        %parallel_loop3A_171 = arith.cmpi slt, %parallel_loop3A_164, %parallel_loop3A_170 : i32
        %parallel_loop3A_172 = arith.xori %parallel_loop3A_169, %parallel_loop3A_171 : i1
        %parallel_loop3A_173 = arith.andi %parallel_loop3A_172, %parallel_loop3A_167 : i1
        %parallel_loop3A_174 = arith.addi %parallel_loop3A_165, %parallel_loop3A_164 : i32
        %parallel_loop3A_175 = arith.select %parallel_loop3A_173, %parallel_loop3A_174, %parallel_loop3A_165 : i32
        %parallel_loop3A_176 = arith.constant 64 : i32
        %parallel_loop3A_177 = arith.muli %parallel_loop3A_175, %parallel_loop3A_176 : i32
        %parallel_loop3A_178 = arith.constant 0 : i32
        %parallel_loop3A_179 = arith.addi %parallel_loop3A_177, %parallel_loop3A_178 : i32
        %parallel_loop3A_180 = arith.index_cast %parallel_loop3A_159 : i32 to index
        %parallel_loop3A_181 = arith.index_cast %parallel_loop3A_179 : i32 to index
        %parallel_loop3A_182 = tpu.vector_load %arg7[%parallel_loop3A_180, %parallel_loop3A_181] {strides = array<i32>} : memref<100x128xf32, #tpu.memory_space<vmem>>, vector<16xf32>,
        %parallel_loop3A_183 = arith.addf %parallel_loop3A_135, %parallel_loop3A_182 : vector<16xf32>
        %parallel_loop3A_184 = arith.index_cast %parallel_loop3A_129 : i32 to index
        %parallel_loop3A_185 = arith.constant 0 : index
        %parallel_loop3A_186 = tpu.vector_load %arg11[%parallel_loop3A_184, %parallel_loop3A_185] {strides = array<i32>} : memref<200x64xf32, #tpu.memory_space<vmem>>, vector<16xf32>,
        tpu.vector_store %arg11[%parallel_loop3A_184, %parallel_loop3A_185], %parallel_loop3A_183 {strides = array<i32>} : memref<200x64xf32, #tpu.memory_space<vmem>>, vector<16xf32>,
        %parallel_loop3A_187 = arith.index_cast %parallel_loop3A_129 : i32 to index
        %parallel_loop3A_188 = arith.constant 16 : index
        %parallel_loop3A_189 = tpu.vector_load %arg9[%parallel_loop3A_187, %parallel_loop3A_188] {strides = array<i32>} : memref<200x128xf32, #tpu.memory_space<vmem>>, vector<16xf32>,
        %parallel_loop3A_190 = arith.constant 8.000000e+00 : f32
        %parallel_loop3A_191 = vector.broadcast %parallel_loop3A_190 : f32 to vector<16xf32>
        %parallel_loop3A_192 = arith.mulf %parallel_loop3A_189, %parallel_loop3A_191 : vector<16xf32>
        %parallel_loop3A_193 = arith.constant 2 : i32
        %parallel_loop3A_194 = arith.divsi %parallel_loop3A_129, %parallel_loop3A_193 : i32
        %parallel_loop3A_195 = arith.constant 0 : i32
        %parallel_loop3A_196 = arith.cmpi sgt, %parallel_loop3A_129, %parallel_loop3A_195 : i32
        %parallel_loop3A_197 = arith.extui %parallel_loop3A_196 : i1 to i32
        %parallel_loop3A_198 = arith.constant 0 : i32
        %parallel_loop3A_199 = arith.cmpi slt, %parallel_loop3A_129, %parallel_loop3A_198 : i32
        %parallel_loop3A_200 = arith.extui %parallel_loop3A_199 : i1 to i32
        %parallel_loop3A_201 = arith.subi %parallel_loop3A_197, %parallel_loop3A_200 : i32
        %parallel_loop3A_202 = arith.constant 0 : i32
        %parallel_loop3A_203 = arith.cmpi sgt, %parallel_loop3A_193, %parallel_loop3A_202 : i32
        %parallel_loop3A_204 = arith.extui %parallel_loop3A_203 : i1 to i32
        %parallel_loop3A_205 = arith.constant 0 : i32
        %parallel_loop3A_206 = arith.cmpi slt, %parallel_loop3A_193, %parallel_loop3A_205 : i32
        %parallel_loop3A_207 = arith.extui %parallel_loop3A_206 : i1 to i32
        %parallel_loop3A_208 = arith.subi %parallel_loop3A_204, %parallel_loop3A_207 : i32
        %parallel_loop3A_209 = arith.cmpi ne, %parallel_loop3A_201, %parallel_loop3A_208 : i32
        %parallel_loop3A_210 = arith.remsi %parallel_loop3A_129, %parallel_loop3A_193 : i32
        %parallel_loop3A_211 = arith.constant 0 : i32
        %parallel_loop3A_212 = arith.cmpi ne, %parallel_loop3A_210, %parallel_loop3A_211 : i32
        %parallel_loop3A_213 = arith.andi %parallel_loop3A_209, %parallel_loop3A_212 : i1
        %parallel_loop3A_214 = arith.constant 1 : i32
        %parallel_loop3A_215 = arith.subi %parallel_loop3A_194, %parallel_loop3A_214 : i32
        %parallel_loop3A_216 = arith.select %parallel_loop3A_213, %parallel_loop3A_215, %parallel_loop3A_194 : i32
        %parallel_loop3A_217 = arith.constant 2 : i32
        %parallel_loop3A_218 = arith.constant 0 : i32
        %parallel_loop3A_219 = arith.cmpi eq, %parallel_loop3A_217, %parallel_loop3A_218 : i32
        %parallel_loop3A_220 = arith.constant 1 : i32
        %parallel_loop3A_221 = arith.select %parallel_loop3A_219, %parallel_loop3A_220, %parallel_loop3A_217 : i32
        %parallel_loop3A_222 = arith.remsi %parallel_loop3A_129, %parallel_loop3A_221 : i32
        %parallel_loop3A_223 = arith.constant 0 : i32
        %parallel_loop3A_224 = arith.cmpi ne, %parallel_loop3A_222, %parallel_loop3A_223 : i32
        %parallel_loop3A_225 = arith.constant 0 : i32
        %parallel_loop3A_226 = arith.cmpi slt, %parallel_loop3A_222, %parallel_loop3A_225 : i32
        %parallel_loop3A_227 = arith.constant 0 : i32
        %parallel_loop3A_228 = arith.cmpi slt, %parallel_loop3A_221, %parallel_loop3A_227 : i32
        %parallel_loop3A_229 = arith.xori %parallel_loop3A_226, %parallel_loop3A_228 : i1
        %parallel_loop3A_230 = arith.andi %parallel_loop3A_229, %parallel_loop3A_224 : i1
        %parallel_loop3A_231 = arith.addi %parallel_loop3A_222, %parallel_loop3A_221 : i32
        %parallel_loop3A_232 = arith.select %parallel_loop3A_230, %parallel_loop3A_231, %parallel_loop3A_222 : i32
        %parallel_loop3A_233 = arith.constant 64 : i32
        %parallel_loop3A_234 = arith.muli %parallel_loop3A_232, %parallel_loop3A_233 : i32
        %parallel_loop3A_235 = arith.constant 16 : i32
        %parallel_loop3A_236 = arith.addi %parallel_loop3A_234, %parallel_loop3A_235 : i32
        %parallel_loop3A_237 = arith.index_cast %parallel_loop3A_216 : i32 to index
        %parallel_loop3A_238 = arith.index_cast %parallel_loop3A_236 : i32 to index
        %parallel_loop3A_239 = tpu.vector_load %arg7[%parallel_loop3A_237, %parallel_loop3A_238] {strides = array<i32>} : memref<100x128xf32, #tpu.memory_space<vmem>>, vector<16xf32>,
        %parallel_loop3A_240 = arith.addf %parallel_loop3A_192, %parallel_loop3A_239 : vector<16xf32>
        %parallel_loop3A_241 = arith.index_cast %parallel_loop3A_129 : i32 to index
        %parallel_loop3A_242 = arith.constant 16 : index
        %parallel_loop3A_243 = tpu.vector_load %arg11[%parallel_loop3A_241, %parallel_loop3A_242] {strides = array<i32>} : memref<200x64xf32, #tpu.memory_space<vmem>>, vector<16xf32>,
        tpu.vector_store %arg11[%parallel_loop3A_241, %parallel_loop3A_242], %parallel_loop3A_240 {strides = array<i32>} : memref<200x64xf32, #tpu.memory_space<vmem>>, vector<16xf32>,
        %parallel_loop3A_244 = arith.index_cast %parallel_loop3A_129 : i32 to index
        %parallel_loop3A_245 = arith.constant 32 : index
        %parallel_loop3A_246 = tpu.vector_load %arg9[%parallel_loop3A_244, %parallel_loop3A_245] {strides = array<i32>} : memref<200x128xf32, #tpu.memory_space<vmem>>, vector<16xf32>,
        %parallel_loop3A_247 = arith.constant 8.000000e+00 : f32
        %parallel_loop3A_248 = vector.broadcast %parallel_loop3A_247 : f32 to vector<16xf32>
        %parallel_loop3A_249 = arith.mulf %parallel_loop3A_246, %parallel_loop3A_248 : vector<16xf32>
        %parallel_loop3A_250 = arith.constant 2 : i32
        %parallel_loop3A_251 = arith.divsi %parallel_loop3A_129, %parallel_loop3A_250 : i32
        %parallel_loop3A_252 = arith.constant 0 : i32
        %parallel_loop3A_253 = arith.cmpi sgt, %parallel_loop3A_129, %parallel_loop3A_252 : i32
        %parallel_loop3A_254 = arith.extui %parallel_loop3A_253 : i1 to i32
        %parallel_loop3A_255 = arith.constant 0 : i32
        %parallel_loop3A_256 = arith.cmpi slt, %parallel_loop3A_129, %parallel_loop3A_255 : i32
        %parallel_loop3A_257 = arith.extui %parallel_loop3A_256 : i1 to i32
        %parallel_loop3A_258 = arith.subi %parallel_loop3A_254, %parallel_loop3A_257 : i32
        %parallel_loop3A_259 = arith.constant 0 : i32
        %parallel_loop3A_260 = arith.cmpi sgt, %parallel_loop3A_250, %parallel_loop3A_259 : i32
        %parallel_loop3A_261 = arith.extui %parallel_loop3A_260 : i1 to i32
        %parallel_loop3A_262 = arith.constant 0 : i32
        %parallel_loop3A_263 = arith.cmpi slt, %parallel_loop3A_250, %parallel_loop3A_262 : i32
        %parallel_loop3A_264 = arith.extui %parallel_loop3A_263 : i1 to i32
        %parallel_loop3A_265 = arith.subi %parallel_loop3A_261, %parallel_loop3A_264 : i32
        %parallel_loop3A_266 = arith.cmpi ne, %parallel_loop3A_258, %parallel_loop3A_265 : i32
        %parallel_loop3A_267 = arith.remsi %parallel_loop3A_129, %parallel_loop3A_250 : i32
        %parallel_loop3A_268 = arith.constant 0 : i32
        %parallel_loop3A_269 = arith.cmpi ne, %parallel_loop3A_267, %parallel_loop3A_268 : i32
        %parallel_loop3A_270 = arith.andi %parallel_loop3A_266, %parallel_loop3A_269 : i1
        %parallel_loop3A_271 = arith.constant 1 : i32
        %parallel_loop3A_272 = arith.subi %parallel_loop3A_251, %parallel_loop3A_271 : i32
        %parallel_loop3A_273 = arith.select %parallel_loop3A_270, %parallel_loop3A_272, %parallel_loop3A_251 : i32
        %parallel_loop3A_274 = arith.constant 2 : i32
        %parallel_loop3A_275 = arith.constant 0 : i32
        %parallel_loop3A_276 = arith.cmpi eq, %parallel_loop3A_274, %parallel_loop3A_275 : i32
        %parallel_loop3A_277 = arith.constant 1 : i32
        %parallel_loop3A_278 = arith.select %parallel_loop3A_276, %parallel_loop3A_277, %parallel_loop3A_274 : i32
        %parallel_loop3A_279 = arith.remsi %parallel_loop3A_129, %parallel_loop3A_278 : i32
        %parallel_loop3A_280 = arith.constant 0 : i32
        %parallel_loop3A_281 = arith.cmpi ne, %parallel_loop3A_279, %parallel_loop3A_280 : i32
        %parallel_loop3A_282 = arith.constant 0 : i32
        %parallel_loop3A_283 = arith.cmpi slt, %parallel_loop3A_279, %parallel_loop3A_282 : i32
        %parallel_loop3A_284 = arith.constant 0 : i32
        %parallel_loop3A_285 = arith.cmpi slt, %parallel_loop3A_278, %parallel_loop3A_284 : i32
        %parallel_loop3A_286 = arith.xori %parallel_loop3A_283, %parallel_loop3A_285 : i1
        %parallel_loop3A_287 = arith.andi %parallel_loop3A_286, %parallel_loop3A_281 : i1
        %parallel_loop3A_288 = arith.addi %parallel_loop3A_279, %parallel_loop3A_278 : i32
        %parallel_loop3A_289 = arith.select %parallel_loop3A_287, %parallel_loop3A_288, %parallel_loop3A_279 : i32
        %parallel_loop3A_290 = arith.constant 64 : i32
        %parallel_loop3A_291 = arith.muli %parallel_loop3A_289, %parallel_loop3A_290 : i32
        %parallel_loop3A_292 = arith.constant 32 : i32
        %parallel_loop3A_293 = arith.addi %parallel_loop3A_291, %parallel_loop3A_292 : i32
        %parallel_loop3A_294 = arith.index_cast %parallel_loop3A_273 : i32 to index
        %parallel_loop3A_295 = arith.index_cast %parallel_loop3A_293 : i32 to index
        %parallel_loop3A_296 = tpu.vector_load %arg7[%parallel_loop3A_294, %parallel_loop3A_295] {strides = array<i32>} : memref<100x128xf32, #tpu.memory_space<vmem>>, vector<16xf32>,
        %parallel_loop3A_297 = arith.addf %parallel_loop3A_249, %parallel_loop3A_296 : vector<16xf32>
        %parallel_loop3A_298 = arith.index_cast %parallel_loop3A_129 : i32 to index
        %parallel_loop3A_299 = arith.constant 32 : index
        %parallel_loop3A_300 = tpu.vector_load %arg11[%parallel_loop3A_298, %parallel_loop3A_299] {strides = array<i32>} : memref<200x64xf32, #tpu.memory_space<vmem>>, vector<16xf32>,
        tpu.vector_store %arg11[%parallel_loop3A_298, %parallel_loop3A_299], %parallel_loop3A_297 {strides = array<i32>} : memref<200x64xf32, #tpu.memory_space<vmem>>, vector<16xf32>,
        %parallel_loop3A_301 = arith.index_cast %parallel_loop3A_129 : i32 to index
        %parallel_loop3A_302 = arith.constant 48 : index
        %parallel_loop3A_303 = tpu.vector_load %arg9[%parallel_loop3A_301, %parallel_loop3A_302] {strides = array<i32>} : memref<200x128xf32, #tpu.memory_space<vmem>>, vector<16xf32>,
        %parallel_loop3A_304 = arith.constant 8.000000e+00 : f32
        %parallel_loop3A_305 = vector.broadcast %parallel_loop3A_304 : f32 to vector<16xf32>
        %parallel_loop3A_306 = arith.mulf %parallel_loop3A_303, %parallel_loop3A_305 : vector<16xf32>
        %parallel_loop3A_307 = arith.constant 2 : i32
        %parallel_loop3A_308 = arith.divsi %parallel_loop3A_129, %parallel_loop3A_307 : i32
        %parallel_loop3A_309 = arith.constant 0 : i32
        %parallel_loop3A_310 = arith.cmpi sgt, %parallel_loop3A_129, %parallel_loop3A_309 : i32
        %parallel_loop3A_311 = arith.extui %parallel_loop3A_310 : i1 to i32
        %parallel_loop3A_312 = arith.constant 0 : i32
        %parallel_loop3A_313 = arith.cmpi slt, %parallel_loop3A_129, %parallel_loop3A_312 : i32
        %parallel_loop3A_314 = arith.extui %parallel_loop3A_313 : i1 to i32
        %parallel_loop3A_315 = arith.subi %parallel_loop3A_311, %parallel_loop3A_314 : i32
        %parallel_loop3A_316 = arith.constant 0 : i32
        %parallel_loop3A_317 = arith.cmpi sgt, %parallel_loop3A_307, %parallel_loop3A_316 : i32
        %parallel_loop3A_318 = arith.extui %parallel_loop3A_317 : i1 to i32
        %parallel_loop3A_319 = arith.constant 0 : i32
        %parallel_loop3A_320 = arith.cmpi slt, %parallel_loop3A_307, %parallel_loop3A_319 : i32
        %parallel_loop3A_321 = arith.extui %parallel_loop3A_320 : i1 to i32
        %parallel_loop3A_322 = arith.subi %parallel_loop3A_318, %parallel_loop3A_321 : i32
        %parallel_loop3A_323 = arith.cmpi ne, %parallel_loop3A_315, %parallel_loop3A_322 : i32
        %parallel_loop3A_324 = arith.remsi %parallel_loop3A_129, %parallel_loop3A_307 : i32
        %parallel_loop3A_325 = arith.constant 0 : i32
        %parallel_loop3A_326 = arith.cmpi ne, %parallel_loop3A_324, %parallel_loop3A_325 : i32
        %parallel_loop3A_327 = arith.andi %parallel_loop3A_323, %parallel_loop3A_326 : i1
        %parallel_loop3A_328 = arith.constant 1 : i32
        %parallel_loop3A_329 = arith.subi %parallel_loop3A_308, %parallel_loop3A_328 : i32
        %parallel_loop3A_330 = arith.select %parallel_loop3A_327, %parallel_loop3A_329, %parallel_loop3A_308 : i32
        %parallel_loop3A_331 = arith.constant 2 : i32
        %parallel_loop3A_332 = arith.constant 0 : i32
        %parallel_loop3A_333 = arith.cmpi eq, %parallel_loop3A_331, %parallel_loop3A_332 : i32
        %parallel_loop3A_334 = arith.constant 1 : i32
        %parallel_loop3A_335 = arith.select %parallel_loop3A_333, %parallel_loop3A_334, %parallel_loop3A_331 : i32
        %parallel_loop3A_336 = arith.remsi %parallel_loop3A_129, %parallel_loop3A_335 : i32
        %parallel_loop3A_337 = arith.constant 0 : i32
        %parallel_loop3A_338 = arith.cmpi ne, %parallel_loop3A_336, %parallel_loop3A_337 : i32
        %parallel_loop3A_339 = arith.constant 0 : i32
        %parallel_loop3A_340 = arith.cmpi slt, %parallel_loop3A_336, %parallel_loop3A_339 : i32
        %parallel_loop3A_341 = arith.constant 0 : i32
        %parallel_loop3A_342 = arith.cmpi slt, %parallel_loop3A_335, %parallel_loop3A_341 : i32
        %parallel_loop3A_343 = arith.xori %parallel_loop3A_340, %parallel_loop3A_342 : i1
        %parallel_loop3A_344 = arith.andi %parallel_loop3A_343, %parallel_loop3A_338 : i1
        %parallel_loop3A_345 = arith.addi %parallel_loop3A_336, %parallel_loop3A_335 : i32
        %parallel_loop3A_346 = arith.select %parallel_loop3A_344, %parallel_loop3A_345, %parallel_loop3A_336 : i32
        %parallel_loop3A_347 = arith.constant 64 : i32
        %parallel_loop3A_348 = arith.muli %parallel_loop3A_346, %parallel_loop3A_347 : i32
        %parallel_loop3A_349 = arith.constant 48 : i32
        %parallel_loop3A_350 = arith.addi %parallel_loop3A_348, %parallel_loop3A_349 : i32
        %parallel_loop3A_351 = arith.index_cast %parallel_loop3A_330 : i32 to index
        %parallel_loop3A_352 = arith.index_cast %parallel_loop3A_350 : i32 to index
        %parallel_loop3A_353 = tpu.vector_load %arg7[%parallel_loop3A_351, %parallel_loop3A_352] {strides = array<i32>} : memref<100x128xf32, #tpu.memory_space<vmem>>, vector<16xf32>,
        %parallel_loop3A_354 = arith.addf %parallel_loop3A_306, %parallel_loop3A_353 : vector<16xf32>
        %parallel_loop3A_355 = arith.index_cast %parallel_loop3A_129 : i32 to index
        %parallel_loop3A_356 = arith.constant 48 : index
        %parallel_loop3A_357 = tpu.vector_load %arg11[%parallel_loop3A_355, %parallel_loop3A_356] {strides = array<i32>} : memref<200x64xf32, #tpu.memory_space<vmem>>, vector<16xf32>,
        tpu.vector_store %arg11[%parallel_loop3A_355, %parallel_loop3A_356], %parallel_loop3A_354 {strides = array<i32>} : memref<200x64xf32, #tpu.memory_space<vmem>>, vector<16xf32>,
      } {sc.loop_unroll_factor = 4 : i64, sc.parallel_access}
      %add3A_117 = arith.addi %mul3A_2, %add3A_92 : i32
      %dma_start3A_118 = arith.constant 1 : i32
      %dma_start3A_119 = arith.constant 0 : i32
      %dma_start3A_120 = arith.constant 0 : i32
      %dma_start3A_121 = tpu.memref_slice %arg5[%add3A_117, %dma_start3A_119, %dma_start3A_120] : memref<1024x200x64xf32, #tpu.memory_space<hbm>> -> memref<1x200x64xf32, #tpu.memory_space<hbm>>
      %dma_start3A_122 = tpu.memref_squeeze %dma_start3A_121 : memref<1x200x64xf32, #tpu.memory_space<hbm>> -> memref<200x64xf32, #tpu.memory_space<hbm>>
      %dma_start3A_123 = tpu.memref_slice %arg13[%dma_start3A_118] : memref<2x!tpu.dma_semaphore, #tpu.memory_space<semaphore_mem>> -> memref<1x!tpu.dma_semaphore, #tpu.memory_space<semaphore_mem>>
      %dma_start3A_124 = tpu.memref_squeeze %dma_start3A_123 : memref<1x!tpu.dma_semaphore, #tpu.memory_space<semaphore_mem>> -> memref<!tpu.dma_semaphore, #tpu.memory_space<semaphore_mem>>
      %dma_start3A_125 = arith.constant 0 : i32
      %dma_start3A_126 = arith.constant 0 : i32
      %dma_start3A_127 = tpu.memref_slice %arg5[%add3A_117, %dma_start3A_125, %dma_start3A_126] : memref<1024x200x64xf32, #tpu.memory_space<hbm>> -> memref<1x200x64xf32, #tpu.memory_space<hbm>>
      %dma_start3A_128 = tpu.memref_squeeze %dma_start3A_127 : memref<1x200x64xf32, #tpu.memory_space<hbm>> -> memref<200x64xf32, #tpu.memory_space<hbm>>
      tpu.enqueue_dma source(%arg11 : memref<200x64xf32, #tpu.memory_space<vmem>>) target(%dma_start3A_128 : memref<200x64xf32, #tpu.memory_space<hbm>>) target_semaphore(%dma_start3A_124 : memref<!tpu.dma_semaphore, #tpu.memory_space<semaphore_mem>>)
    }
    %scan3A_29 = arith.constant 16 : i32
    %dma_wait3A = arith.constant 0 : i32
    %dma_wait3A_30 = arith.constant 0 : i32
    %dma_wait3A_31 = arith.constant 0 : i32
    %dma_wait3A_32 = arith.constant 0 : i32
    %dma_wait3A_33 = tpu.memref_slice %arg5[%dma_wait3A, %dma_wait3A_31, %dma_wait3A_32] : memref<1024x200x64xf32, #tpu.memory_space<hbm>> -> memref<1x200x64xf32, #tpu.memory_space<hbm>>
    %dma_wait3A_34 = tpu.memref_squeeze %dma_wait3A_33 : memref<1x200x64xf32, #tpu.memory_space<hbm>> -> memref<200x64xf32, #tpu.memory_space<hbm>>
    %dma_wait3A_35 = tpu.memref_slice %arg13[%dma_wait3A_30] : memref<2x!tpu.dma_semaphore, #tpu.memory_space<semaphore_mem>> -> memref<1x!tpu.dma_semaphore, #tpu.memory_space<semaphore_mem>>
    %dma_wait3A_36 = tpu.memref_squeeze %dma_wait3A_35 : memref<1x!tpu.dma_semaphore, #tpu.memory_space<semaphore_mem>> -> memref<!tpu.dma_semaphore, #tpu.memory_space<semaphore_mem>>
    %dma_wait3A_37 = arith.constant 0 : i32
    %dma_wait3A_38 = arith.constant 0 : i32
    %dma_wait3A_39 = tpu.memref_slice %arg5[%dma_wait3A, %dma_wait3A_37, %dma_wait3A_38] : memref<1024x200x64xf32, #tpu.memory_space<hbm>> -> memref<1x200x64xf32, #tpu.memory_space<hbm>>
    %dma_wait3A_40 = tpu.memref_squeeze %dma_wait3A_39 : memref<1x200x64xf32, #tpu.memory_space<hbm>> -> memref<200x64xf32, #tpu.memory_space<hbm>>
    tpu.wait_dma2 semaphore(%dma_wait3A_36 : memref<!tpu.dma_semaphore, #tpu.memory_space<semaphore_mem>>) src(%dma_wait3A_40 : memref<200x64xf32, #tpu.memory_space<hbm>>) dst(%arg10 : memref<200x64xf32, #tpu.memory_space<vmem>>)
    %dma_wait3A_41 = arith.constant 0 : i32
    %dma_wait3A_42 = arith.constant 1 : i32
    %dma_wait3A_43 = arith.constant 0 : i32
    %dma_wait3A_44 = arith.constant 0 : i32
    %dma_wait3A_45 = tpu.memref_slice %arg5[%dma_wait3A_41, %dma_wait3A_43, %dma_wait3A_44] : memref<1024x200x64xf32, #tpu.memory_space<hbm>> -> memref<1x200x64xf32, #tpu.memory_space<hbm>>
    %dma_wait3A_46 = tpu.memref_squeeze %dma_wait3A_45 : memref<1x200x64xf32, #tpu.memory_space<hbm>> -> memref<200x64xf32, #tpu.memory_space<hbm>>
    %dma_wait3A_47 = tpu.memref_slice %arg13[%dma_wait3A_42] : memref<2x!tpu.dma_semaphore, #tpu.memory_space<semaphore_mem>> -> memref<1x!tpu.dma_semaphore, #tpu.memory_space<semaphore_mem>>
    %dma_wait3A_48 = tpu.memref_squeeze %dma_wait3A_47 : memref<1x!tpu.dma_semaphore, #tpu.memory_space<semaphore_mem>> -> memref<!tpu.dma_semaphore, #tpu.memory_space<semaphore_mem>>
    %dma_wait3A_49 = arith.constant 0 : i32
    %dma_wait3A_50 = arith.constant 0 : i32
    %dma_wait3A_51 = tpu.memref_slice %arg5[%dma_wait3A_41, %dma_wait3A_49, %dma_wait3A_50] : memref<1024x200x64xf32, #tpu.memory_space<hbm>> -> memref<1x200x64xf32, #tpu.memory_space<hbm>>
    %dma_wait3A_52 = tpu.memref_squeeze %dma_wait3A_51 : memref<1x200x64xf32, #tpu.memory_space<hbm>> -> memref<200x64xf32, #tpu.memory_space<hbm>>
    tpu.wait_dma2 semaphore(%dma_wait3A_48 : memref<!tpu.dma_semaphore, #tpu.memory_space<semaphore_mem>>) src(%dma_wait3A_52 : memref<200x64xf32, #tpu.memory_space<hbm>>) dst(%arg11 : memref<200x64xf32, #tpu.memory_space<vmem>>)
    return
  }
}

</mosaic_0001>

<sc_bundles>
// kernel: _embed.3.cloned.1.call-start
scs
__scs_entry_jumppad:
0x0: {  	(pc) =	sbr.rel $0x88, $3  }
0x1: {  	(tag) =	ssettag $0x0;
	lr =	simm.s32 $0x1  }
0x2: {  	[smem:$0x3F9E] =	sst lr;
	_ =	strace $0xD0000000  }
0x3: {  	_ = 	snop  }
0x4: {  	_ = 	snop  }
0x5: {  	_ = 	snop  }
0x6: {  	_ = 	snop  }
0x7: {  	_ = 	snop  }
__scs_overlays_trampoline_lowered:
0x8: {  	[smem:$0x3FAD] =	sst s0  }
0x9: {  	[smem:$0x3FAE] =	sst s1  }
0xa: {  	[smem:$0x3FAF] =	sst s2  }
0xb: {  	[smem:$0x3FB0] =	sst s3  }
0xc: {  	[smem:$0x3FB1] =	sst s4  }
0xd: {  	[smem:$0x3FB2] =	sst s5  }
0xe: {  	[smem:$0x3FB3] =	sst s6  }
0xf: {  	[smem:$0x3FB4] =	sst s7  }
0x10: {  	[smem:$0x3FB5] =	sst s8  }
0x11: {  	[smem:$0x3FB6] =	sst s9;
	s0 =	simm.s32 @!p0 $0x0  }
0x12: {  	s1 =	sld [smem:$0x3F9C];
	s0 =	simm.s32 @p0 $0x1  }
0x13: {  	[smem:$0x3FB7] =	sst s0;
	s0 =	simm.s32 @!p1 $0x0  }
0x14: {  	s2 =	sld [smem:$0x3F9B];
	s0 =	simm.s32 @p1 $0x1  }
0x15: {  	[smem:$0x3FB8] =	sst s0;
	s0 =	simm.s32 @!p2 $0x0  }
0x16: {  	s3 =	sld [smem:$0x3FDB];
	s0 =	simm.s32 @p2 $0x1  }
0x17: {  	s4 =	simm.s32 $0x1BF5;
	[smem:$0x3FBA] =	sst s0  }
0x18: {  	s0 =	sld [smem:$0x3F9D];
	_ =	swait.ge [sflag:s4], $0x0  }
0x19: {  	s7 =	sld [smem:$0x3F9E]  }
0x1a: {  	s8 =	sadd.s32 $0xFFFFE003, lr  }
0x1b: {  	s9 =	sadd.s32 $0xFFFFFEF7, lr;
	s5 =	simm.s32 $0xFFFFFFFF;
	p2 =	slt.u32 s8, $0xFFFFF086  }
0x1c: {  	p1 =	slt.u32 s9, $0xF7A;
	s5 =	simm.s32 @!p2 $0x0  }
0x1d: {  	s5 =	simm.s32 @p1 $0x1;
	p0 =	seq.s32 s7, s2  }
0x1e: {  	s7 =	smul.u32 @!p0 $0xF7A, s2;
	p2 =	seq.s32 @!p0 s5, $0x0  }
0x1f: {  	s9 =	smul.u32 $0xF7A, s1;
	s8 =	simm.s32 @!p0 $0x1BF5;
	p2 =	por !p2, p0  }
0x20: {  	[sflag:s8] =	ssyncset.s32 @!p0 $0xFFFFF086;
	s6 =	sadd.s32 @!p0 s3, s7;
	s7 =	simm.s32 @!p0 $0x108  }
0x21: {  	s3 =	sadd.s32 s3, s9;
	s6 =	sadd.s32 @!p0 $0x88, s6;
	s7 =	simm.s32 @p2 $0x1082  }
0x22: {  	[simem:s7], [sflag:s8] =	dma.local @!p0 [hbm:s6], $0xF7A  }
0x23: {  	s9 =	sor.u32 $0xD0000000, s2;
	s6 =	simm.s32 $0x108;
	_ =	swait.ge @!p0 [sflag:s8], $0x0  }
0x24: {  	s3 =	sadd.s32 $0x88, s3;
	s6 =	simm.s32 @!p1 $0x1082;
	[sflag:s4] =	ssyncset.s32 $0xFFFFF086  }
0x25: {  	[simem:s6], [sflag:s4] =	dma.local [hbm:s3], $0xF7A  }
0x26: {  	[smem:$0x3F9E] =	sst s1;
	(tag) =	ssettag s2;
	_ =	strace s9  }
0x27: {  	s1 =	sld [smem:$0x3FAE]  }
0x28: {  	s2 =	sld [smem:$0x3FAF]  }
0x29: {  	s4 =	sld [smem:$0x3FB1]  }
0x2a: {  	p0 =	seq.s32 s5, $0x0;
	s5 =	sld [smem:$0x3FB2]  }
0x2b: {  	s6 =	sld [smem:$0x3FB3]  }
0x2c: {  	s7 =	sld [smem:$0x3FB4]  }
0x2d: {  	s3 =	simm.s32 $0x108;
	s8 =	sld [smem:$0x3FB5]  }
0x2e: {  	s3 =	simm.s32 @!p0 $0x1082;
	s9 =	sld [smem:$0x3FB6]  }
0x2f: {  	lr =	sadd.s32 s0, s3;
	s0 =	sld [smem:$0x3FAD]  }
0x30: {  	s3 =	sld [smem:$0x3FB0]  }
0x31: {  	[smem:$0x3FB9] =	sst s10  }
0x32: {  	s10 =	sld [smem:$0x3FB7];
	_ =	sdelay $0x3  }
0x33: {  	p0 =	seq.s32 s10, $0x1;
	s10 =	sld [smem:$0x3FB9];
	_ =	sdelay $0x3  }
0x34: {  	[smem:$0x3FB9] =	sst s10  }
0x35: {  	s10 =	sld [smem:$0x3FB8];
	_ =	sdelay $0x3  }
0x36: {  	p1 =	seq.s32 s10, $0x1;
	s10 =	sld [smem:$0x3FB9];
	_ =	sdelay $0x3  }
0x37: {  	[smem:$0x3FB9] =	sst s10  }
0x38: {  	s10 =	sld [smem:$0x3FBA]  }
0x39: {  	_ = 	snop;
	(pc) =	sbr.ind lr, $3  }
0x3a: {  	_ = 	snop  }
0x3b: {  	_ = 	snop  }
0x3c: {  	p2 =	seq.s32 s10, $0x1;
	s10 =	sld [smem:$0x3FB9]  }
0x3d: {  	_ =	shalt  }
0x3e: {  	_ =	shalt  }
0x3f: {  	_ =	shalt  }
0x40: {  	_ =	shalt  }
0x41: {  	_ =	shalt  }
0x42: {  	_ =	shalt  }
0x43: {  	_ =	shalt  }
0x44: {  	_ =	shalt  }
0x45: {  	_ =	shalt  }
0x46: {  	_ =	shalt  }
0x47: {  	_ =	shalt  }
0x48: {  	_ =	shalt  }
0x49: {  	_ =	shalt  }
0x4a: {  	_ =	shalt  }
0x4b: {  	_ =	shalt  }
0x4c: {  	_ =	shalt  }
0x4d: {  	_ =	shalt  }
0x4e: {  	_ =	shalt  }
0x4f: {  	_ =	shalt  }
0x50: {  	_ =	shalt  }
0x51: {  	_ =	shalt  }
0x52: {  	_ =	shalt  }
0x53: {  	_ =	shalt  }
0x54: {  	_ =	shalt  }
0x55: {  	_ =	shalt  }
0x56: {  	_ =	shalt  }
0x57: {  	_ =	shalt  }
0x58: {  	_ =	shalt  }
0x59: {  	_ =	shalt  }
0x5a: {  	_ =	shalt  }
0x5b: {  	_ =	shalt  }
0x5c: {  	_ =	shalt  }
0x5d: {  	_ =	shalt  }
0x5e: {  	_ =	shalt  }
0x5f: {  	_ =	shalt  }
0x60: {  	_ =	shalt  }
0x61: {  	_ =	shalt  }
0x62: {  	_ =	shalt  }
0x63: {  	_ =	shalt  }
0x64: {  	_ =	shalt  }
0x65: {  	_ =	shalt  }
0x66: {  	_ =	shalt  }
0x67: {  	_ =	shalt  }
0x68: {  	_ =	shalt  }
0x69: {  	_ =	shalt  }
0x6a: {  	_ =	shalt  }
0x6b: {  	_ =	shalt  }
0x6c: {  	_ =	shalt  }
0x6d: {  	_ =	shalt  }
0x6e: {  	_ =	shalt  }
0x6f: {  	_ =	shalt  }
0x70: {  	_ =	shalt  }
0x71: {  	_ =	shalt  }
0x72: {  	_ =	shalt  }
0x73: {  	_ =	shalt  }
0x74: {  	_ =	shalt  }
0x75: {  	_ =	shalt  }
0x76: {  	_ =	shalt  }
0x77: {  	_ =	shalt  }
0x78: {  	_ =	shalt  }
0x79: {  	_ =	shalt  }
0x7a: {  	_ =	shalt  }
0x7b: {  	_ =	shalt  }
0x7c: {  	_ =	shalt  }
0x7d: {  	_ =	shalt  }
0x7e: {  	_ =	shalt  }
0x7f: {  	_ =	shalt  }
0x80: {  	_ =	shalt  }
0x81: {  	_ =	shalt  }
0x82: {  	_ =	shalt  }
0x83: {  	_ =	shalt  }
0x84: {  	_ =	shalt  }
0x85: {  	_ =	shalt  }
0x86: {  	_ =	shalt  }
0x87: {  	_ =	shalt  }
.Lfunc_end0:
.L_simem_size_0:
called_computation_lowered:
.L_overlay_start_0:
0x88: {  	s2 =	sld [smem:$0x3FD9]  }
0x89: {  	s3 =	sld [smem:$0x3FFE];
	_ =	sdelay $0x1  }
0x8a: {  	s1 =	srdreg.scid  }
0x8b: {  	s0 =	sand.u32 $0x1, s1  }
0x8c: {  	s17 =	sshll.u32 s0, $0xA;
	s2 =	sadd.s32 s3, s2  }
0x8d: {  	s2 =	sadd.s32 s2, s17  }
0x8e: {  	[smem:$0x3FC5] =	sst s2  }
0x8f: {  	_ = 	snop  }
0x90: {  	s2 =	sld [smem:$0x3FC9]  }
0x91: {  	s18 =	sld [smem:$0x3FC8]  }
0x92: {  	s4 =	sld [smem:$0x3FC7];
	(tm) =	ssettm $0x1  }
0x93: {  	s5 =	sld [smem:$0x3FFB];
	_ =	sdelay $0x3  }
0x94: {  	_ =	strace s5  }
0x95: {  	s5 =	sld [smem:$0x3FFC];
	_ =	sdelay $0x3  }
0x96: {  	_ =	strace s5  }
0x97: {  	s5 =	sld [smem:$0x3FFD];
	_ =	sdelay $0x3  }
0x98: {  	_ =	strace s5  }
0x99: {  	_ =	strace $0x8FFFFFFF  }
0x9a: {  	s19 =	sld [smem:$0x3FDB];
	_ =	sdelay $0x1  }
0x9b: {  	s6 =	simm.s32 $_scs_section_size  }
0x9c: {  	s7 =	simm.s32 $_size__tile_overlayer_lowered;
	s8 =	simm.s32 $_tile_overlayer_lowered  }
0x9d: {  	s22 =	simm.s32 $0x1BFF;
	s21 =	sshll.u32 s8, $0x1;
	s5 =	sadd.s32 s6, s19  }
0x9e: {  	s9 =	simm.s32 $0x0;
	s20 =	sshll.u32 s7, $0x1;
	s7 =	sadd.s32 s21, s5  }
0x9f: {  	[timem:s9], [sflag:s22] =	dma.local [hbm:s7], s20  }
0xa0: {  	_ =	swait.ge [sflag:s22], s20  }
0xa1: {  	s6 =	ssub.s32 $0x0, s20;
	[sflag:s22] =	ssyncset.done $0x0  }
0xa2: {  	[sflag:s22] =	ssyncadd.s32 s6;
	_ =	sdelay $0x1  }
0xa3: {  	s23 =	simm.s32 $0x1B8B  }
0xa4: {  	_ =	swait.ge [sflag:s23], $0x1  }
0xa5: {  	[sflag:s23] =	ssyncset.done $0x0  }
0xa6: {  	s25 =	simm.s32 $0x1B8E;
	s24 =	sld [smem:$0x3FFE];
	[sflag:s23] =	ssyncadd.s32 $0xFFFFFFFF  }
0xa7: {  	s26 =	simm.s32 $execute0_lowered;
	[smem:$0x3FD2] =	sst s25  }
0xa8: {  	s7 =	sshll.u32 s26, $0x1;
	_ =	strace $0x80000046;
	[dreg:$0x1] =	wrdreg $0xFFFFFFFF  }
0xa9: {  	s28 =	simm.s32 $_size_execute0_lowered;
	s5 =	sadd.s32 s5, s7;
	[dreg:$0x0] =	wrdreg $0x0  }
0xaa: {  	s7 =	sshll.u32 s28, $0x1;
	[dreg:$0x2] =	wrdreg s5  }
0xab: {  	[dreg:$0x3] =	wrdreg s7  }
0xac: {  	[dreg:$0x4] =	wrdreg $0xC0  }
0xad: {  	_ =	task [dreg:s9], $0x5FFFF  }
0xae: {  	[dreg:$0x1] =	wrdreg $0xFFFFFFFF  }
0xaf: {  	[dreg:$0x0] =	wrdreg $0x60  }
0xb0: {  	[dreg:$0x2] =	wrdreg s2  }
0xb1: {  	[dreg:$0x3] =	wrdreg s18  }
0xb2: {  	[dreg:$0x4] =	wrdreg s4  }
0xb3: {  	[dreg:$0x5] =	wrdreg s24  }
0xb4: {  	[dreg:$0x6] =	wrdreg $0x9  }
0xb5: {  	_ =	task.clear_ibuf [dreg:s9], $0x7FFFF;
	_ =	strace $0x90000046  }
0xb6: {  	s29 =	simm.s32 $0x9;
	_ =	strace $0x80000048  }
0xb7: {  	_ =	swait.ge [sflag:s29], $0x1  }
0xb8: {  	[sflag:s29] =	ssyncadd.s32 $0xFFFFFFFF  }
0xb9: {  	_ =	strace $0x90000048  }
0xba: {  	_ =	sfence  }
0xbb: {  	s30 =	sld [smem:$0x0];
	_ =	sdelay $0x2  }
0xbc: {  	s31 =	sshll.u32 s1, $0xD;
	s1 =	sshrl.u32 s1, $0x2  }
0xbd: {  	s3 =	sand.u32 $0x4000, s31;
	s1 =	sadd.s32 s1, s30  }
0xbe: {  	s0 =	sor.u32 s3, s0;
	s1 =	sshll.u32 s1, $0x11  }
0xbf: {  	s0 =	sor.u32 s1, s0  }
0xc0: {  	s0 =	sadd.s32 $0x8F2B, s0  }
0xc1: {  	[sflag:s0] =	ssyncadd.remote.s32 $0x1  }
0xc2: {  	_ =	sfence.sel $0xFFFF  }
0xc3: {  	[dreg:$0x0] =	wrdreg $0xFFFFFFFF;
	(pc) =	sbr.abs _section_cstart, $3  }
0xc4: {  	[dreg:$0x1] =	wrdreg $0xFFFFFFFF  }
0xc5: {  	_ =	task.clear_ibuf [dreg:s9], $0x2FFFF;
	_ =	strace $0x9FFFFFFF  }
0xc6: {  	(tm) =	ssettm $0x7FFFFFFF  }
0xc7: {  	_ =	shalt  }
tec
execute0_lowered:
.L_overlay_start_1:
0x0: {  	(tag) =	ssettag $0x1  }
0x1: {  	s0 =	rddreg [dreg:$0x0]  }
0x2: {  	s2 =	rddreg [dreg:$0x1]  }
0x3: {  	s1 =	rddreg [dreg:$0x3];
	s3 =	srdreg.scid  }
0x4: {  	s4 =	stileid.u32;
	s9 =	simm.s32 $0x5;
	s10 =	simm.s32 $0x1900  }
0x5: {  	s11 =	simm.s32 $0x80;
	s12 =	simm.s32 $0x4D00;
	s13 =	simm.s32 $0x48  }
0x6: {  	s14 =	simm.s32 $0x8D00;
	s15 =	simm.s32 $0xB100;
	s16 =	simm.s32 $0xF100  }
0x7: {  	s17 =	simm.s32 $0x1;
	s18 =	simm.s32 $0x11500;
	s19 =	simm.s32 $0x2  }
0x8: {  	s20 =	simm.s32 $0x4;
	s21 =	simm.s32 $0x17900;
	s22 =	simm.s32 $0x3  }
0x9: {  	s23 =	simm.s32 $0x0;
	s3 =	sand.u32 $0x1, s3;
	s5 =	sshll.u32 s4, $0x1  }
0xa: {  	s4 =	simm.s32 $0x0;
	s6 =	ssub.s32 $0x2, s3;
	s3 =	sor.u32 s3, s5  }
0xb: {  	[smem:$0x7FF] =	sst s4;
	s7 =	sshrl.u32 s6, $0x1;
	s8 =	smul.u32 $0x320, s3  }
0xc: {  	s5 =	sadd.s32 $0x400, s1;
	_ =	strace $0x80000047;
	s31 =	ssub.s32 s6, s7  }
0xd: {  	s6 =	sshll.u32 s3, $0x5;
	s7 =	sadd.s32 s0, s8;
	s8 =	smax.u32 s31, $0x1  }
.LBB2_1:
0xe: {  	[tilespmem:s4], [sflag:$0x5] =	stream.linear.gather [hbm4b:s7+s4], $0x1900, $0x38;
	[tilespmem:$0x1DD00] =	vst v63  }
0xf: {  	_ =	swait.ge [sflag:s9], $0x1900  }
0x10: {  	[sflag:s9] =	ssyncset.done $0x0  }
0x11: {  	[sflag:s9] =	ssyncadd.s32 $0xFFFFE700  }
0x12: {  	s0 =	rddreg [dreg:$0x2]  }
0x13: {  	[tilespmem:s10], [sflag:$0x5] =	stream.linear.gather [hbm4b:s0+s4], $0x3200, $0x38;
	[tilespmem:$0x1DD00] =	vst v63  }
0x14: {  	_ =	swait.ge [sflag:s9], $0x3200  }
0x15: {  	[sflag:s9] =	ssyncset.done $0x0  }
0x16: {  	[sflag:s9] =	ssyncadd.s32 $0xFFFFCE00  }
0x17: {  	[tilespmem:s12], [sflag:$0x1] =	stream.indirect.gather [hbm4b:s2+s11], $0x80, s4, s11, $0xb8;
	[tilespmem:$0x1DD00] =	vst v63  }
0x18: {  	s24 =	simm.s32 $0x0  }
0x19: {  	[tilespmem:s14], [sflag:$0x1] =	stream.indirect.gather [hbm4b:s2+s13], $0x80, s11, s13, $0xb8;
	[tilespmem:$0x1DD00] =	vst v63  }
.LBB2_2:
0x1a: {  	s25 =	sshllo.u32 s24, $0x1  }
0x1b: {  	s0 =	smul.u32 $0x320, s25;
	_ =	sdelay $0x1  }
0x1c: {  	s0 =	sshra.s32 s0, $0x2  }
0x1d: {  	[tilespmem:s15], [sflag:$0x2] =	stream.indirect.gather [hbm4b:s2+s11], $0x80, s0, s11, $0xb8;
	[tilespmem:$0x1DD00] =	vst v63  }
0x1e: {  	s0 =	sadd.s32 $0x80, s0  }
0x1f: {  	[tilespmem:s16], [sflag:$0x2] =	stream.indirect.gather [hbm4b:s2+s13], $0x80, s0, s13, $0xb8;
	[tilespmem:$0x1DD00] =	vst v63  }
0x20: {  	_ =	swait.ge [sflag:s17], $0x6400  }
0x21: {  	p0 =	seq.s32 s24, $0x0;
	[sflag:s17] =	ssyncset.done $0x0  }
0x22: {  	s0 =	simm.s32 @!p0 $0x3;
	[sflag:s17] =	ssyncadd.s32 $0xFFFF9C00  }
0x23: {  	_ =	swait.ge @!p0 [sflag:s0], $0x6400  }
0x24: {  	[sflag:s0] =	ssyncset.done @!p0 $0x0  }
0x25: {  	s1 =	simm.s32 $0x4E00;
	[sflag:s0] =	ssyncadd.s32 @!p0 $0xFFFF9C00  }
0x26: {  	s3 =	simm.s32 $0x1980;
	v0 =	vld [tilespmem:s1+$0x80]  }
0x27: {  	v1 =	vld [tilespmem:s3+$0x40]  }
0x28: {  	v2 =	vld [tilespmem:s1+$0xFFFFFF80]  }
0x29: {  	v3 =	vld [tilespmem:s1+$0xFFFFFF00]  }
0x2a: {  	v4 =	vld [tilespmem:s1+$0x0]  }
0x2b: {  	v5 =	vld [tilespmem:s3+$0xFFFFFF80];
	v0 =	vmul.f32 $8.000000000e+00, v0  }
0x2c: {  	s28 =	simm.s32 $0x5000;
	v6 =	vld [tilespmem:s3+$0xFFFFFFC0]  }
0x2d: {  	v8 =	vld [tilespmem:s28+$0xFFFFFF80];
	v0 =	vadd.f32 v1, v0  }
0x2e: {  	s26 =	simm.s32 $0x11600;
	s30 =	simm.s32 $0x1A80;
	v3 =	vmul.f32 $8.000000000e+00, v3;
	v1 =	vld [tilespmem:s3+$0x0]  }
0x2f: {  	v9 =	vld [tilespmem:s30+$0x40];
	[tilespmem:s26+$0x80] =	vst v0  }
0x30: {  	v3 =	vadd.f32 v5, v3;
	v0 =	vmul.f32 $8.000000000e+00, v2;
	v2 =	vld [tilespmem:s1+$0x90]  }
0x31: {  	v10 =	vld [tilespmem:s28+$0x0];
	v4 =	vmul.f32 $8.000000000e+00, v4  }
0x32: {  	[tilespmem:s26+$0xFFFFFF00] =	vst v3;
	v5 =	vld [tilespmem:s3+$0x50];
	v0 =	vadd.f32 v6, v0  }
0x33: {  	v3 =	vld [tilespmem:s1+$0xFFFFFF10];
	v1 =	vadd.f32 v1, v4  }
0x34: {  	v4 =	vld [tilespmem:s3+$0xFFFFFF90];
	[tilespmem:s26+$0xFFFFFF80] =	vst v0  }
0x35: {  	v0 =	vld [tilespmem:s1+$0xFFFFFF90];
	[tilespmem:s26+$0x0] =	vst v1;
	v1 =	vmul.f32 $8.000000000e+00, v2  }
0x36: {  	v2 =	vld [tilespmem:s1+$0x10]  }
0x37: {  	v6 =	vld [tilespmem:s3+$0x10];
	v1 =	vadd.f32 v5, v1  }
0x38: {  	v5 =	vld [tilespmem:s3+$0xFFFFFFD0]  }
0x39: {  	v11 =	vld [tilespmem:s28+$0xFFFFFF00];
	[tilespmem:s26+$0x90] =	vst v1;
	v1 =	vmul.f32 $8.000000000e+00, v3  }
0x3a: {  	v3 =	vld [tilespmem:s1+$0xA0]  }
0x3b: {  	v12 =	vld [tilespmem:s30+$0xFFFFFF80];
	v0 =	vmul.f32 $8.000000000e+00, v0;
	v2 =	vmul.f32 $8.000000000e+00, v2;
	v1 =	vadd.f32 v4, v1  }
0x3c: {  	v4 =	vld [tilespmem:s3+$0x60]  }
0x3d: {  	v0 =	vadd.f32 v5, v0;
	[tilespmem:s26+$0xFFFFFF10] =	vst v1;
	v1 =	vadd.f32 v6, v2;
	v6 =	vld [tilespmem:s28+$0x80]  }
0x3e: {  	v58 =	vld [tilespmem:s30+$0x0]  }
0x3f: {  	v2 =	vld [tilespmem:s1+$0xFFFFFF20];
	[tilespmem:s26+$0xFFFFFF90] =	vst v0;
	v0 =	vmul.f32 $8.000000000e+00, v3  }
0x40: {  	v3 =	vld [tilespmem:s1+$0xFFFFFFA0]  }
0x41: {  	v0 =	vadd.f32 v4, v0;
	v4 =	vld [tilespmem:s3+$0xFFFFFFA0]  }
0x42: {  	v10 =	vmul.f32 $8.000000000e+00, v10;
	[tilespmem:s26+$0x10] =	vst v1;
	v5 =	vld [tilespmem:s3+$0xFFFFFFE0];
	v6 =	vmul.f32 $8.000000000e+00, v6  }
0x43: {  	v1 =	vld [tilespmem:s1+$0x20];
	[tilespmem:s26+$0xA0] =	vst v0  }
0x44: {  	v2 =	vmul.f32 $8.000000000e+00, v2;
	v0 =	vld [tilespmem:s1+$0xB0];
	v6 =	vadd.f32 v9, v6;
	v9 =	vadd.f32 v58, v10  }
0x45: {  	s29 =	simm.s32 $0x11800;
	v7 =	vld [tilespmem:s3+$0x70];
	v3 =	vmul.f32 $8.000000000e+00, v3  }
0x46: {  	v2 =	vadd.f32 v4, v2;
	v4 =	vld [tilespmem:s30+$0xFFFFFFC0];
	[tilespmem:s29+$0x0] =	vst v9  }
0x47: {  	v3 =	vadd.f32 v5, v3;
	[tilespmem:s29+$0x80] =	vst v6;
	v9 =	vld [tilespmem:s28+$0x10]  }
0x48: {  	v5 =	vmul.f32 $8.000000000e+00, v11;
	[tilespmem:s26+$0xFFFFFF20] =	vst v2;
	v2 =	vld [tilespmem:s3+$0x20]  }
0x49: {  	[tilespmem:s26+$0xFFFFFFA0] =	vst v3;
	v3 =	vmul.f32 $8.000000000e+00, v8;
	v8 =	vld [tilespmem:s28+$0x90]  }
0x4a: {  	v5 =	vadd.f32 v12, v5;
	v6 =	vld [tilespmem:s1+$0xFFFFFF30]  }
0x4b: {  	v3 =	vadd.f32 v4, v3;
	v4 =	vld [tilespmem:s30+$0x50]  }
0x4c: {  	v59 =	vld [tilespmem:s1+$0xFFFFFFB0];
	[tilespmem:s29+$0xFFFFFF00] =	vst v5  }
0x4d: {  	v1 =	vmul.f32 $8.000000000e+00, v1;
	v60 =	vld [tilespmem:s28+$0xFFFFFF10]  }
0x4e: {  	v61 =	vld [tilespmem:s30+$0xFFFFFF90];
	[tilespmem:s29+$0xFFFFFF80] =	vst v3;
	v8 =	vmul.f32 $8.000000000e+00, v8  }
0x4f: {  	v1 =	vadd.f32 v2, v1;
	v3 =	vld [tilespmem:s28+$0xFFFFFF90]  }
0x50: {  	v5 =	vld [tilespmem:s3+$0xFFFFFFB0];
	v4 =	vadd.f32 v4, v8  }
0x51: {  	v2 =	vld [tilespmem:s30+$0xFFFFFFD0];
	[tilespmem:s26+$0x20] =	vst v1  }
0x52: {  	v8 =	vld [tilespmem:s30+$0x10];
	v1 =	vmul.f32 $8.000000000e+00, v60;
	[tilespmem:s29+$0x90] =	vst v4  }
0x53: {  	v0 =	vmul.f32 $8.000000000e+00, v0;
	v4 =	vld [tilespmem:s28+$0xA0]  }
0x54: {  	v62 =	vld [tilespmem:s1+$0x30];
	v1 =	vadd.f32 v61, v1;
	v3 =	vmul.f32 $8.000000000e+00, v3  }
0x55: {  	v0 =	vadd.f32 v7, v0;
	v9 =	vmul.f32 $8.000000000e+00, v9;
	v63 =	vld [tilespmem:s30+$0x60]  }
0x56: {  	v13 =	vld [tilespmem:s3+$0xFFFFFFF0];
	[tilespmem:s29+$0xFFFFFF10] =	vst v1;
	v1 =	vmul.f32 $8.000000000e+00, v6;
	v2 =	vadd.f32 v2, v3  }
0x57: {  	[tilespmem:s26+$0xB0] =	vst v0;
	v6 =	vld [tilespmem:s3+$0x30];
	v3 =	vadd.f32 v8, v9  }
0x58: {  	v7 =	vld [tilespmem:s28+$0xFFFFFF20];
	v5 =	vadd.f32 v5, v1;
	[tilespmem:s29+$0xFFFFFF90] =	vst v2;
	v4 =	vmul.f32 $8.000000000e+00, v4  }
0x59: {  	v8 =	vmul.f32 $8.000000000e+00, v59;
	[tilespmem:s29+$0x10] =	vst v3;
	v2 =	vld [tilespmem:s28+$0xFFFFFFA0]  }
0x5a: {  	v1 =	vld [tilespmem:s28+$0x20];
	[tilespmem:s26+$0xFFFFFF30] =	vst v5;
	v5 =	vmul.f32 $8.000000000e+00, v62;
	v0 =	vadd.f32 v63, v4  }
0x5b: {  	v3 =	vld [tilespmem:s30+$0xFFFFFFA0];
	v8 =	vadd.f32 v13, v8  }
0x5c: {  	s31 =	sshll.u32 s24, $0x1;
	v4 =	vld [tilespmem:s30+$0xFFFFFFE0];
	v5 =	vadd.f32 v6, v5;
	[tilespmem:s29+$0xA0] =	vst v0  }
0x5d: {  	s0 =	simm.s32 $0x1A80;
	s1 =	simm.s32 $0x4;
	s3 =	simm.s32 $0x5200;
	[tilespmem:s26+$0xFFFFFFB0] =	vst v8;
	v6 =	vmul.f32 $8.000000000e+00, v7;
	v0 =	vld [tilespmem:s28+$0xB0]  }
.LBB2_3:
0x5e: {  	v7 =	vld [tilespmem:s3+$0x80];
	v2 =	vmul.f32 $8.000000000e+00, v2;
	[tilespmem:s26+$0x30] =	vst v5;
	s26 =	smov.u32 s29  }
0x5f: {  	s1 =	sadd.s32 $0x4, s1;
	v1 =	vmul.f32 $8.000000000e+00, v1;
	v5 =	vld [tilespmem:s30+$0x70]  }
0x60: {  	p1 =	slt.u32 s1, $0xC4;
	s30 =	sadd.s32 $0x100, s30;
	v8 =	vld [tilespmem:s3+$0xFFFFFF80];
	v3 =	vadd.f32 v3, v6  }
0x61: {  	v6 =	vld [tilespmem:s30+$0x40];
	v2 =	vadd.f32 v4, v2  }
0x62: {  	v4 =	vld [tilespmem:s3+$0x0];
	[tilespmem:s29+$0xFFFFFF20] =	vst v3;
	v0 =	vmul.f32 $8.000000000e+00, v0  }
0x63: {  	v3 =	vld [tilespmem:s3+$0xFFFFFF00];
	[tilespmem:s29+$0xFFFFFFA0] =	vst v2  }
0x64: {  	v7 =	vmul.f32 $8.000000000e+00, v7;
	v2 =	vld [tilespmem:s30+$0xFFFFFF80];
	v0 =	vadd.f32 v5, v0  }
0x65: {  	v5 =	vmul.f32 $8.000000000e+00, v8;
	v8 =	vld [tilespmem:s30+$0xFFFFFFC0]  }
0x66: {  	v9 =	vld [tilespmem:s30+$0x0];
	v6 =	vadd.f32 v6, v7;
	[tilespmem:s29+$0xB0] =	vst v0  }
0x67: {  	s29 =	sadd.s32 $0x200, s29;
	v0 =	vmul.f32 $8.000000000e+00, v4;
	v4 =	vld [tilespmem:s0+$0x20]  }
0x68: {  	v3 =	vmul.f32 $8.000000000e+00, v3;
	[tilespmem:s29+$0x80] =	vst v6;
	v6 =	vld [tilespmem:s28+$0xFFFFFF30]  }
0x69: {  	v7 =	vld [tilespmem:s3+$0x90]  }
0x6a: {  	v2 =	vadd.f32 v2, v3;
	v3 =	vadd.f32 v8, v5;
	v5 =	vld [tilespmem:s28+$0xFFFFFFB0]  }
0x6b: {  	v0 =	vadd.f32 v9, v0;
	v8 =	vld [tilespmem:s30+$0x50]  }
0x6c: {  	[tilespmem:s29+$0xFFFFFF00] =	vst v2;
	v2 =	vld [tilespmem:s0+$0xFFFFFFB0];
	v1 =	vadd.f32 v4, v1  }
0x6d: {  	v4 =	vld [tilespmem:s3+$0xFFFFFF10];
	[tilespmem:s29+$0xFFFFFF80] =	vst v3;
	v3 =	vmul.f32 $8.000000000e+00, v6  }
0x6e: {  	v6 =	vld [tilespmem:s3+$0xFFFFFF90];
	[tilespmem:s29+$0x0] =	vst v0;
	v0 =	vmul.f32 $8.000000000e+00, v7  }
0x6f: {  	v7 =	vld [tilespmem:s3+$0x10];
	v5 =	vmul.f32 $8.000000000e+00, v5;
	[tilespmem:s26+$0x20] =	vst v1  }
0x70: {  	v1 =	vld [tilespmem:s30+$0xFFFFFF90];
	v0 =	vadd.f32 v8, v0  }
0x71: {  	v8 =	vld [tilespmem:s30+$0xFFFFFFD0];
	v2 =	vadd.f32 v2, v3  }
0x72: {  	v3 =	vmul.f32 $8.000000000e+00, v4;
	v4 =	vld [tilespmem:s30+$0x10];
	[tilespmem:s29+$0x90] =	vst v0  }
0x73: {  	v0 =	vmul.f32 $8.000000000e+00, v6;
	v6 =	vld [tilespmem:s3+$0xA0];
	[tilespmem:s26+$0xFFFFFF30] =	vst v2  }
0x74: {  	v2 =	vmul.f32 $8.000000000e+00, v7;
	v7 =	vld [tilespmem:s28+$0x30];
	s28 =	smov.u32 s3  }
0x75: {  	v1 =	vadd.f32 v1, v3;
	v3 =	vld [tilespmem:s30+$0x60]  }
0x76: {  	v0 =	vadd.f32 v8, v0;
	v8 =	vld [tilespmem:s0+$0xFFFFFFF0]  }
0x77: {  	[tilespmem:s29+$0xFFFFFF10] =	vst v1;
	v1 =	vadd.f32 v4, v2;
	v9 =	vld [tilespmem:s0+$0x30];
	s0 =	smov.u32 s30  }
0x78: {  	v10 =	vld [tilespmem:s3+$0xFFFFFF20];
	[tilespmem:s29+$0xFFFFFF90] =	vst v0;
	v0 =	vmul.f32 $8.000000000e+00, v6  }
.Ltmp0:
0x79: {  	v2 =	vld [tilespmem:s3+$0xFFFFFFA0];
	[tilespmem:s29+$0x10] =	vst v1;
	v6 =	vmul.f32 $8.000000000e+00, v7;
	(pc) =	sbr.rel @p1 .LBB2_3-.Ltmp0, $4  }
0x7a: {  	v1 =	vld [tilespmem:s3+$0x20];
	v0 =	vadd.f32 v3, v0  }
0x7b: {  	v3 =	vld [tilespmem:s30+$0xFFFFFFA0];
	v7 =	vadd.f32 v8, v5  }
0x7c: {  	v4 =	vld [tilespmem:s30+$0xFFFFFFE0];
	[tilespmem:s29+$0xA0] =	vst v0;
	v5 =	vadd.f32 v9, v6  }
0x7d: {  	s3 =	sadd.s32 $0x200, s3;
	v6 =	vmul.f32 $8.000000000e+00, v10;
	v0 =	vld [tilespmem:s28+$0xB0];
	[tilespmem:s26+$0xFFFFFFB0] =	vst v7  }
0x7e: {  	v7 =	vld [tilespmem:s0+$0x20];
	_ =	sdelay $0x1  }
0x7f: {  	v2 =	vmul.f32 $8.000000000e+00, v2;
	v3 =	vadd.f32 v3, v6  }
0x80: {  	v1 =	vmul.f32 $8.000000000e+00, v1  }
0x81: {  	v58 =	vld [tilespmem:s30+$0x70];
	v2 =	vadd.f32 v4, v2;
	[tilespmem:s29+$0xFFFFFF20] =	vst v3  }
0x82: {  	v59 =	vld [tilespmem:s28+$0xFFFFFF30];
	v1 =	vadd.f32 v7, v1  }
0x83: {  	[tilespmem:s29+$0xFFFFFFA0] =	vst v2;
	v61 =	vld [tilespmem:s0+$0xFFFFFFB0]  }
0x84: {  	v60 =	vld [tilespmem:s28+$0xFFFFFFB0];
	[tilespmem:s29+$0x20] =	vst v1  }
0x85: {  	v1 =	vld [tilespmem:s28+$0x30]  }
0x86: {  	v62 =	vld [tilespmem:s0+$0xFFFFFFF0]  }
0x87: {  	v0 =	vmul.f32 $8.000000000e+00, v0;
	v8 =	vld [tilespmem:s0+$0x30]  }
0x88: {  	v2 =	vmul.f32 $8.000000000e+00, v59  }
0x89: {  	v0 =	vadd.f32 v58, v0;
	v3 =	vmul.f32 $8.000000000e+00, v60  }
0x8a: {  	[tilespmem:s26+$0x30] =	vst v5;
	p1 =	sne.s32 s24, $0xF;
	v2 =	vadd.f32 v61, v2;
	v1 =	vmul.f32 $8.000000000e+00, v1  }
.Ltmp1:
0x8b: {  	s31 =	sadd.s32 s6, s31;
	[tilespmem:s29+$0xB0] =	vst v0;
	v63 =	vadd.f32 v62, v3;
	(pc) =	sbr.rel @p1 .LBB2_6-.Ltmp1, $4  }
0x8c: {  	s0 =	smul.u32 $0xC80, s31;
	[tilespmem:s29+$0xFFFFFF30] =	vst v2;
	v1 =	vadd.f32 v8, v1  }
0x8d: {  	[tilespmem:s29+$0xFFFFFFB0] =	vst v63  }
0x8e: {  	s0 =	sadd.s32 s5, s0;
	[tilespmem:s29+$0x30] =	vst v1  }
0x8f: {  	[hbm4b:s0+s4] =	stream.linear.scatter [tilespmem:s18], [sflag:$0x3], $0x6400, $0x38;
	[tilespmem:$0x1DD00] =	vst v63  }
.Ltmp2:
0x90: {  	(pc) =	sbr.rel .LBB2_7-.Ltmp2, $4  }
0x91: {  	_ = 	snop  }
0x92: {  	_ =	swait.ge [sflag:s19], $0x6400  }
0x93: {  	[sflag:s19] =	ssyncset.done $0x0  }
0x94: {  	[sflag:s19] =	ssyncadd.s32 $0xFFFF9C00  }
.LBB2_6:
0x95: {  	s0 =	smul.u32 $0x640, s24;
	_ =	sdelay $0x1  }
0x96: {  	s0 =	sshra.s32 s0, $0x2  }
0x97: {  	s1 =	sadd.s32 $0x190, s0  }
0x98: {  	[tilespmem:s12], [sflag:$0x1] =	stream.indirect.gather [hbm4b:s2+s11], $0x80, s1, s11, $0xb8;
	[tilespmem:$0x1DD00] =	vst v63  }
.Ltmp3:
0x99: {  	s0 =	sadd.s32 $0x210, s0;
	(pc) =	sbr.rel @p0 .LBB2_8-.Ltmp3, $4  }
0x9a: {  	[tilespmem:s14], [sflag:$0x1] =	stream.indirect.gather [hbm4b:s2+s13], $0x80, s0, s13, $0xb8;
	[tilespmem:$0x1DD00] =	vst v63  }
0x9b: {  	_ =	swait.ge [sflag:s19], $0x6400  }
0x9c: {  	[sflag:s19] =	ssyncset.done $0x0  }
0x9d: {  	[sflag:s19] =	ssyncadd.s32 $0xFFFF9C00  }
.LBB2_7:
0x9e: {  	_ =	swait.ge [sflag:s20], $0x6400  }
0x9f: {  	[sflag:s20] =	ssyncset.done $0x0  }
0xa0: {  	[sflag:s20] =	ssyncadd.s32 $0xFFFF9C00  }
.LBB2_8:
0xa1: {  	s1 =	simm.s32 $0xB200  }
0xa2: {  	s0 =	simm.s32 $0x1980;
	v0 =	vld [tilespmem:s1+$0x80]  }
0xa3: {  	v1 =	vld [tilespmem:s0+$0x40]  }
0xa4: {  	v2 =	vld [tilespmem:s1+$0xFFFFFF80]  }
0xa5: {  	v3 =	vld [tilespmem:s1+$0xFFFFFF00]  }
0xa6: {  	v4 =	vld [tilespmem:s1+$0x0]  }
0xa7: {  	v5 =	vld [tilespmem:s0+$0xFFFFFF80];
	v0 =	vmul.f32 $8.000000000e+00, v0  }
0xa8: {  	s28 =	simm.s32 $0xB400;
	v6 =	vld [tilespmem:s0+$0xFFFFFFC0]  }
0xa9: {  	v8 =	vld [tilespmem:s28+$0xFFFFFF80];
	v0 =	vadd.f32 v1, v0  }
0xaa: {  	s26 =	simm.s32 $0x17A00;
	s30 =	simm.s32 $0x1A80;
	v3 =	vmul.f32 $8.000000000e+00, v3;
	v1 =	vld [tilespmem:s0+$0x0]  }
0xab: {  	v9 =	vld [tilespmem:s30+$0x40];
	[tilespmem:s26+$0x80] =	vst v0  }
0xac: {  	v3 =	vadd.f32 v5, v3;
	v0 =	vmul.f32 $8.000000000e+00, v2;
	v2 =	vld [tilespmem:s1+$0x90]  }
0xad: {  	v10 =	vld [tilespmem:s28+$0x0];
	v4 =	vmul.f32 $8.000000000e+00, v4  }
0xae: {  	[tilespmem:s26+$0xFFFFFF00] =	vst v3;
	v5 =	vld [tilespmem:s0+$0x50];
	v0 =	vadd.f32 v6, v0  }
0xaf: {  	v3 =	vld [tilespmem:s1+$0xFFFFFF10];
	v1 =	vadd.f32 v1, v4  }
0xb0: {  	v4 =	vld [tilespmem:s0+$0xFFFFFF90];
	[tilespmem:s26+$0xFFFFFF80] =	vst v0  }
0xb1: {  	v0 =	vld [tilespmem:s1+$0xFFFFFF90];
	[tilespmem:s26+$0x0] =	vst v1;
	v1 =	vmul.f32 $8.000000000e+00, v2  }
0xb2: {  	v2 =	vld [tilespmem:s1+$0x10]  }
0xb3: {  	v6 =	vld [tilespmem:s0+$0x10];
	v1 =	vadd.f32 v5, v1  }
0xb4: {  	v5 =	vld [tilespmem:s0+$0xFFFFFFD0]  }
0xb5: {  	v11 =	vld [tilespmem:s28+$0xFFFFFF00];
	[tilespmem:s26+$0x90] =	vst v1;
	v1 =	vmul.f32 $8.000000000e+00, v3  }
0xb6: {  	v3 =	vld [tilespmem:s1+$0xA0]  }
0xb7: {  	v12 =	vld [tilespmem:s30+$0xFFFFFF80];
	v0 =	vmul.f32 $8.000000000e+00, v0;
	v2 =	vmul.f32 $8.000000000e+00, v2;
	v1 =	vadd.f32 v4, v1  }
0xb8: {  	v4 =	vld [tilespmem:s0+$0x60]  }
0xb9: {  	v0 =	vadd.f32 v5, v0;
	[tilespmem:s26+$0xFFFFFF10] =	vst v1;
	v1 =	vadd.f32 v6, v2;
	v6 =	vld [tilespmem:s28+$0x80]  }
0xba: {  	v57 =	vld [tilespmem:s30+$0x0]  }
0xbb: {  	v2 =	vld [tilespmem:s1+$0xFFFFFF20];
	[tilespmem:s26+$0xFFFFFF90] =	vst v0;
	v0 =	vmul.f32 $8.000000000e+00, v3  }
0xbc: {  	v3 =	vld [tilespmem:s1+$0xFFFFFFA0]  }
0xbd: {  	v0 =	vadd.f32 v4, v0;
	v4 =	vld [tilespmem:s0+$0xFFFFFFA0]  }
0xbe: {  	v10 =	vmul.f32 $8.000000000e+00, v10;
	[tilespmem:s26+$0x10] =	vst v1;
	v5 =	vld [tilespmem:s0+$0xFFFFFFE0];
	v6 =	vmul.f32 $8.000000000e+00, v6  }
0xbf: {  	v1 =	vld [tilespmem:s1+$0x20];
	[tilespmem:s26+$0xA0] =	vst v0  }
0xc0: {  	v2 =	vmul.f32 $8.000000000e+00, v2;
	v0 =	vld [tilespmem:s1+$0xB0];
	v6 =	vadd.f32 v9, v6;
	v9 =	vadd.f32 v57, v10  }
0xc1: {  	s29 =	simm.s32 $0x17C00;
	v7 =	vld [tilespmem:s0+$0x70];
	v3 =	vmul.f32 $8.000000000e+00, v3  }
0xc2: {  	v2 =	vadd.f32 v4, v2;
	v4 =	vld [tilespmem:s30+$0xFFFFFFC0];
	[tilespmem:s29+$0x0] =	vst v9  }
0xc3: {  	v3 =	vadd.f32 v5, v3;
	[tilespmem:s29+$0x80] =	vst v6;
	v9 =	vld [tilespmem:s28+$0x10]  }
0xc4: {  	v5 =	vmul.f32 $8.000000000e+00, v11;
	[tilespmem:s26+$0xFFFFFF20] =	vst v2;
	v2 =	vld [tilespmem:s0+$0x20]  }
0xc5: {  	[tilespmem:s26+$0xFFFFFFA0] =	vst v3;
	v3 =	vmul.f32 $8.000000000e+00, v8;
	v8 =	vld [tilespmem:s28+$0x90]  }
0xc6: {  	v5 =	vadd.f32 v12, v5;
	v6 =	vld [tilespmem:s1+$0xFFFFFF30]  }
0xc7: {  	v3 =	vadd.f32 v4, v3;
	v4 =	vld [tilespmem:s30+$0x50]  }
0xc8: {  	v58 =	vld [tilespmem:s1+$0xFFFFFFB0];
	[tilespmem:s29+$0xFFFFFF00] =	vst v5  }
0xc9: {  	v1 =	vmul.f32 $8.000000000e+00, v1;
	v59 =	vld [tilespmem:s28+$0xFFFFFF10]  }
0xca: {  	v60 =	vld [tilespmem:s30+$0xFFFFFF90];
	[tilespmem:s29+$0xFFFFFF80] =	vst v3;
	v8 =	vmul.f32 $8.000000000e+00, v8  }
0xcb: {  	v1 =	vadd.f32 v2, v1;
	v3 =	vld [tilespmem:s28+$0xFFFFFF90]  }
0xcc: {  	v5 =	vld [tilespmem:s0+$0xFFFFFFB0];
	v4 =	vadd.f32 v4, v8  }
0xcd: {  	v2 =	vld [tilespmem:s30+$0xFFFFFFD0];
	[tilespmem:s26+$0x20] =	vst v1  }
0xce: {  	v8 =	vld [tilespmem:s30+$0x10];
	v1 =	vmul.f32 $8.000000000e+00, v59;
	[tilespmem:s29+$0x90] =	vst v4  }
0xcf: {  	v0 =	vmul.f32 $8.000000000e+00, v0;
	v4 =	vld [tilespmem:s28+$0xA0]  }
0xd0: {  	v61 =	vld [tilespmem:s1+$0x30];
	v1 =	vadd.f32 v60, v1;
	v3 =	vmul.f32 $8.000000000e+00, v3  }
0xd1: {  	v0 =	vadd.f32 v7, v0;
	v9 =	vmul.f32 $8.000000000e+00, v9;
	v62 =	vld [tilespmem:s30+$0x60]  }
0xd2: {  	[tilespmem:s29+$0xFFFFFF10] =	vst v1;
	v1 =	vmul.f32 $8.000000000e+00, v6;
	v2 =	vadd.f32 v2, v3;
	v3 =	vld [tilespmem:s0+$0xFFFFFFF0]  }
0xd3: {  	[tilespmem:s26+$0xB0] =	vst v0;
	v6 =	vadd.f32 v8, v9;
	v8 =	vld [tilespmem:s0+$0x30]  }
0xd4: {  	v7 =	vld [tilespmem:s28+$0xFFFFFF20];
	v5 =	vadd.f32 v5, v1;
	[tilespmem:s29+$0xFFFFFF90] =	vst v2;
	v4 =	vmul.f32 $8.000000000e+00, v4  }
0xd5: {  	v63 =	vmul.f32 $8.000000000e+00, v58;
	[tilespmem:s29+$0x10] =	vst v6;
	v2 =	vld [tilespmem:s28+$0xFFFFFFA0]  }
0xd6: {  	v1 =	vld [tilespmem:s28+$0x20];
	[tilespmem:s26+$0xFFFFFF30] =	vst v5;
	v5 =	vmul.f32 $8.000000000e+00, v61;
	v0 =	vadd.f32 v62, v4  }
0xd7: {  	v4 =	vld [tilespmem:s30+$0xFFFFFFA0];
	v9 =	vadd.f32 v3, v63  }
0xd8: {  	v3 =	vld [tilespmem:s30+$0xFFFFFFE0];
	v5 =	vadd.f32 v8, v5;
	[tilespmem:s29+$0xA0] =	vst v0  }
0xd9: {  	s3 =	simm.s32 $0xB600;
	s1 =	simm.s32 $0x4;
	s0 =	simm.s32 $0x1A80;
	v6 =	vmul.f32 $8.000000000e+00, v7;
	[tilespmem:s26+$0xFFFFFFB0] =	vst v9;
	v0 =	vld [tilespmem:s28+$0xB0]  }
.LBB2_9:
0xda: {  	v7 =	vld [tilespmem:s3+$0x80];
	v2 =	vmul.f32 $8.000000000e+00, v2;
	[tilespmem:s26+$0x30] =	vst v5;
	s26 =	smov.u32 s29  }
0xdb: {  	s1 =	sadd.s32 $0x4, s1;
	v1 =	vmul.f32 $8.000000000e+00, v1;
	v5 =	vld [tilespmem:s30+$0x70]  }
0xdc: {  	p0 =	slt.u32 s1, $0xC4;
	s30 =	sadd.s32 $0x100, s30;
	v8 =	vld [tilespmem:s3+$0xFFFFFF80];
	v4 =	vadd.f32 v4, v6  }
0xdd: {  	v6 =	vld [tilespmem:s30+$0x40];
	v2 =	vadd.f32 v3, v2  }
0xde: {  	v3 =	vld [tilespmem:s3+$0x0];
	[tilespmem:s29+$0xFFFFFF20] =	vst v4;
	v0 =	vmul.f32 $8.000000000e+00, v0  }
0xdf: {  	v4 =	vld [tilespmem:s3+$0xFFFFFF00];
	[tilespmem:s29+$0xFFFFFFA0] =	vst v2  }
0xe0: {  	v7 =	vmul.f32 $8.000000000e+00, v7;
	v2 =	vld [tilespmem:s30+$0xFFFFFF80];
	v0 =	vadd.f32 v5, v0  }
0xe1: {  	v5 =	vmul.f32 $8.000000000e+00, v8;
	v8 =	vld [tilespmem:s30+$0xFFFFFFC0]  }
0xe2: {  	v9 =	vld [tilespmem:s30+$0x0];
	v6 =	vadd.f32 v6, v7;
	[tilespmem:s29+$0xB0] =	vst v0  }
0xe3: {  	s29 =	sadd.s32 $0x200, s29;
	v0 =	vmul.f32 $8.000000000e+00, v3;
	v3 =	vld [tilespmem:s0+$0x20]  }
0xe4: {  	v4 =	vmul.f32 $8.000000000e+00, v4;
	[tilespmem:s29+$0x80] =	vst v6;
	v6 =	vld [tilespmem:s28+$0xFFFFFF30]  }
0xe5: {  	v7 =	vld [tilespmem:s3+$0x90]  }
0xe6: {  	v2 =	vadd.f32 v2, v4;
	v4 =	vadd.f32 v8, v5;
	v5 =	vld [tilespmem:s28+$0xFFFFFFB0]  }
0xe7: {  	v0 =	vadd.f32 v9, v0;
	v8 =	vld [tilespmem:s30+$0x50]  }
0xe8: {  	[tilespmem:s29+$0xFFFFFF00] =	vst v2;
	v2 =	vld [tilespmem:s0+$0xFFFFFFB0];
	v1 =	vadd.f32 v3, v1  }
0xe9: {  	v3 =	vld [tilespmem:s3+$0xFFFFFF10];
	[tilespmem:s29+$0xFFFFFF80] =	vst v4;
	v4 =	vmul.f32 $8.000000000e+00, v6  }
0xea: {  	v6 =	vld [tilespmem:s3+$0xFFFFFF90];
	[tilespmem:s29+$0x0] =	vst v0;
	v0 =	vmul.f32 $8.000000000e+00, v7  }
0xeb: {  	v7 =	vld [tilespmem:s3+$0x10];
	v5 =	vmul.f32 $8.000000000e+00, v5;
	[tilespmem:s26+$0x20] =	vst v1  }
0xec: {  	v1 =	vld [tilespmem:s30+$0xFFFFFF90];
	v0 =	vadd.f32 v8, v0  }
0xed: {  	v8 =	vld [tilespmem:s30+$0xFFFFFFD0];
	v2 =	vadd.f32 v2, v4  }
0xee: {  	v3 =	vmul.f32 $8.000000000e+00, v3;
	v4 =	vld [tilespmem:s30+$0x10];
	[tilespmem:s29+$0x90] =	vst v0  }
0xef: {  	v0 =	vmul.f32 $8.000000000e+00, v6;
	v6 =	vld [tilespmem:s3+$0xA0];
	[tilespmem:s26+$0xFFFFFF30] =	vst v2  }
0xf0: {  	v2 =	vmul.f32 $8.000000000e+00, v7;
	v7 =	vld [tilespmem:s28+$0x30];
	s28 =	smov.u32 s3  }
0xf1: {  	v1 =	vadd.f32 v1, v3;
	v3 =	vld [tilespmem:s30+$0x60]  }
0xf2: {  	v0 =	vadd.f32 v8, v0;
	v8 =	vld [tilespmem:s0+$0xFFFFFFF0]  }
0xf3: {  	[tilespmem:s29+$0xFFFFFF10] =	vst v1;
	v1 =	vadd.f32 v4, v2;
	v9 =	vld [tilespmem:s0+$0x30];
	s0 =	smov.u32 s30  }
0xf4: {  	v10 =	vld [tilespmem:s3+$0xFFFFFF20];
	[tilespmem:s29+$0xFFFFFF90] =	vst v0;
	v0 =	vmul.f32 $8.000000000e+00, v6  }
.Ltmp4:
0xf5: {  	v2 =	vld [tilespmem:s3+$0xFFFFFFA0];
	[tilespmem:s29+$0x10] =	vst v1;
	v6 =	vmul.f32 $8.000000000e+00, v7;
	(pc) =	sbr.rel @p0 .LBB2_9-.Ltmp4, $4  }
0xf6: {  	v1 =	vld [tilespmem:s3+$0x20];
	v0 =	vadd.f32 v3, v0  }
0xf7: {  	v4 =	vld [tilespmem:s30+$0xFFFFFFA0];
	v7 =	vadd.f32 v8, v5  }
0xf8: {  	v3 =	vld [tilespmem:s30+$0xFFFFFFE0];
	[tilespmem:s29+$0xA0] =	vst v0;
	v5 =	vadd.f32 v9, v6  }
0xf9: {  	s3 =	sadd.s32 $0x200, s3;
	v6 =	vmul.f32 $8.000000000e+00, v10;
	v0 =	vld [tilespmem:s28+$0xB0];
	[tilespmem:s26+$0xFFFFFFB0] =	vst v7  }
0xfa: {  	v7 =	vld [tilespmem:s0+$0x20];
	_ =	sdelay $0x1  }
0xfb: {  	v2 =	vmul.f32 $8.000000000e+00, v2;
	v4 =	vadd.f32 v4, v6  }
0xfc: {  	v1 =	vmul.f32 $8.000000000e+00, v1  }
0xfd: {  	v57 =	vld [tilespmem:s30+$0x70];
	v2 =	vadd.f32 v3, v2;
	[tilespmem:s29+$0xFFFFFF20] =	vst v4  }
0xfe: {  	v58 =	vld [tilespmem:s28+$0xFFFFFF30];
	v1 =	vadd.f32 v7, v1  }
0xff: {  	[tilespmem:s29+$0xFFFFFFA0] =	vst v2;
	v60 =	vld [tilespmem:s0+$0xFFFFFFB0]  }
0x100: {  	v59 =	vld [tilespmem:s28+$0xFFFFFFB0];
	[tilespmem:s29+$0x20] =	vst v1  }
0x101: {  	v1 =	vld [tilespmem:s28+$0x30]  }
0x102: {  	v61 =	vld [tilespmem:s0+$0xFFFFFFF0]  }
0x103: {  	v0 =	vmul.f32 $8.000000000e+00, v0;
	v8 =	vld [tilespmem:s0+$0x30]  }
0x104: {  	v2 =	vmul.f32 $8.000000000e+00, v58  }
0x105: {  	s24 =	sadd.s32 $0x1, s24;
	v0 =	vadd.f32 v57, v0;
	v62 =	vmul.f32 $8.000000000e+00, v59  }
0x106: {  	[tilespmem:s26+$0x30] =	vst v5;
	p0 =	sne.s32 s24, $0x10;
	v2 =	vadd.f32 v60, v2;
	v1 =	vmul.f32 $8.000000000e+00, v1  }
.Ltmp5:
0x107: {  	s31 =	sadd.s32 s6, s25;
	[tilespmem:s29+$0xB0] =	vst v0;
	v63 =	vadd.f32 v61, v62;
	(pc) =	sbr.rel @p0 .LBB2_2-.Ltmp5, $4  }
0x108: {  	s0 =	smul.u32 $0xC80, s31;
	[tilespmem:s29+$0xFFFFFF30] =	vst v2;
	v1 =	vadd.f32 v8, v1  }
0x109: {  	[tilespmem:s29+$0xFFFFFFB0] =	vst v63  }
0x10a: {  	s0 =	sadd.s32 s5, s0;
	[tilespmem:s29+$0x30] =	vst v1  }
0x10b: {  	[hbm4b:s0+s4] =	stream.linear.scatter [tilespmem:s21], [sflag:$0x4], $0x6400, $0x38;
	[tilespmem:$0x1DD00] =	vst v63  }
0x10c: {  	s23 =	sadd.s32 $0x1, s23  }
0x10d: {  	_ =	swait.ge [sflag:s22], $0x6400;
	p0 =	sne.s32 s23, s8  }
.Ltmp6:
0x10e: {  	[sflag:s22] =	ssyncset.done $0x0;
	(pc) =	sbr.rel @p0 .LBB2_1-.Ltmp6, $4  }
0x10f: {  	[sflag:s22] =	ssyncadd.s32 $0xFFFF9C00  }
0x110: {  	_ =	swait.ge [sflag:s20], $0x6400  }
0x111: {  	[sflag:s20] =	ssyncset.done $0x0  }
0x112: {  	[sflag:s20] =	ssyncadd.s32 $0xFFFF9C00  }
0x113: {  	_ =	sfence.sel $0x180000  }
0x114: {  	[bflag:$0x0] =	sbarrier.arrive $0xFFFF  }
0x115: {  	_ =	strace $0x90000047  }
0x116: {  	s0 =	stileid.u32;
	[bflag:$0x2] =	sbarrier.arrive $0xFFFF  }
0x117: {  	p0 =	sne.s32 s0, $0x0;
	s0 =	rddreg [dreg:$0x4]  }
0x118: {  	s0 =	sadd.s32 @!p0 $0x100000, s0  }
0x119: {  	[sflag:s0] =	ssyncadd.tile.s32 @!p0 $0x1;
	_ =	shalt  }
.Lfunc_end2:
_tile_overlayer_lowered:
.L_overlay_start_2:
0x11a: {  	(tag) =	ssettag $0x2  }
0x11b: {  	s0 =	rddreg [dreg:$0x0];
	s2 =	stileid.u32  }
0x11c: {  	s1 =	rddreg [dreg:$0x1];
	p0 =	sne.s32 s2, $0x0  }
0x11d: {  	s3 =	rddreg [dreg:$0x2];
	[bflag:$0x3] =	sbarrier.arrive $0xFFFF;
	s2 =	simm.s32 @!p0 $0x1C05  }
0x11e: {  	[timem:s3], [sflag:s2] =	dma.local @!p0 [hbm:s0], s1  }
0x11f: {  	s0 =	simm.s32 @!p0 $0x5  }
0x120: {  	_ =	swait.ge @!p0 [sflag:s0], s1  }
0x121: {  	s1 =	ssub.s32 @!p0 $0x0, s1;
	[sflag:s0] =	ssyncset.done @!p0 $0x0  }
0x122: {  	[sflag:s0] =	ssyncadd.s32 @!p0 s1  }
0x123: {  	[bflag:$0x3] =	sbarrier.arrive $0xFFFF  }
0x124: {  	_ =	shalt  }

</sc_bundles>
